<compile_context>
chip_gen: v7x
topology: tpu7x:2x2x1
jax: 0.10.2.dev20260603
libtpu: 0.0.44.dev20260713+nightly
codegen_flags: <defaults>
</compile_context>

<pallas_src>
import functools
import jax
import jax.numpy as jnp
from jax import lax
from jax.experimental import pallas as pl
from jax.experimental.pallas import tpu as pltpu
from jax.experimental.pallas import tpu_sc as plsc

_SCORE_THRESH = 0.05
_NMS_THRESH = 0.5
_MAX_DET = 100
_N = 20000
_NPAD = 20480
_L = 16
_MINF = float("-inf")


def _sc_body(x1h, y1h, x2h, y2h, sh, oh,
             xv1, yv1, xv2, yv2, av, l1, l2,
             kx1, ky1, kx2, ky2, kar, ost,
             sem0, sem1, sem2, sem3, sem4):
    cid = lax.axis_index("c")
    sid = lax.axis_index("s")

    @pl.when(jnp.logical_and(cid == 0, sid == 0))
    def _main():
        iota = lax.iota(jnp.int32, _L)
        lane0 = iota == 0
        lane15 = iota == 15
        out_mask = iota < 5
        minf = jnp.float32(_MINF)
        minf_v = jnp.full((_L,), _MINF, jnp.float32)
        zero_v = jnp.zeros((_L,), jnp.float32)

        cp_s = pltpu.async_copy(sh, av, sem0)
        cp_x1 = pltpu.async_copy(x1h, xv1, sem1)
        cp_y1 = pltpu.async_copy(y1h, yv1, sem2)
        cp_x2 = pltpu.async_copy(x2h, xv2, sem3)
        cp_y2 = pltpu.async_copy(y2h, yv2, sem4)

        for c in range(8):
            kx1[pl.ds(c * 16, 16)] = zero_v
            ky1[pl.ds(c * 16, 16)] = zero_v
            kx2[pl.ds(c * 16, 16)] = zero_v
            ky2[pl.ds(c * 16, 16)] = zero_v
            kar[pl.ds(c * 16, 16)] = zero_v

        cp_s.wait()

        def build_l1(c, carry):
            base = c * 256
            acc = minf_v
            for k in range(16):
                acc = jnp.maximum(acc, plsc.load_gather(av, [base + iota * 16 + k]))
            acc = jnp.where(acc >= _SCORE_THRESH, acc, minf_v)
            plsc.store_scatter(l1, [c * 16 + iota], acc)
            return carry
        lax.fori_loop(0, 80, build_l1, 0)

        for c in range(16):
            l2[pl.ds(c * 16, 16)] = minf_v
        def build_l2(c, carry):
            acc = minf_v
            for k in range(16):
                acc = jnp.maximum(acc, plsc.load_gather(l1, [c * 256 + iota * 16 + k]))
            plsc.store_scatter(l2, [c * 16 + iota], acc)
            return carry
        lax.fori_loop(0, 5, build_l2, 0)

        v3i = minf_v
        for k in range(16):
            v3i = jnp.maximum(v3i, plsc.load_gather(l2, [iota * 16 + k]))
        mi = jnp.max(v3i)

        cp_x1.wait()
        cp_y1.wait()
        cp_x2.wait()
        cp_y2.wait()

        def cond(carry):
            kc, m, v3 = carry
            return jnp.logical_and(kc < _MAX_DET, m > minf)

        def body(carry):
            kc, m, v3 = carry
            mv = jnp.broadcast_to(m, (_L,))

            i3 = plsc.all_reduce_ffs(v3 == mv)
            v2 = plsc.load_gather(l2, [i3 * 16 + iota])
            i2 = i3 * 16 + plsc.all_reduce_ffs(v2 == mv)
            v1 = plsc.load_gather(l1, [i2 * 16 + iota])
            i1 = i2 * 16 + plsc.all_reduce_ffs(v1 == mv)
            v0 = plsc.load_gather(av, [i1 * 16 + iota])
            i0 = i1 * 16 + plsc.all_reduce_ffs(v0 == mv)

            bx1 = plsc.load_gather(xv1, [i0])
            by1 = plsc.load_gather(yv1, [i0])
            bx2 = plsc.load_gather(xv2, [i0])
            by2 = plsc.load_gather(yv2, [i0])
            carea = (bx2 - bx1) * (by2 - by1)

            bad = iota < 0
            for c in range(7):
                a1 = kx1[pl.ds(c * 16, 16)]
                b1 = ky1[pl.ds(c * 16, 16)]
                a2 = kx2[pl.ds(c * 16, 16)]
                b2 = ky2[pl.ds(c * 16, 16)]
                ka = kar[pl.ds(c * 16, 16)]
                xx1 = jnp.maximum(a1, bx1)
                yy1 = jnp.maximum(b1, by1)
                xx2 = jnp.minimum(a2, bx2)
                yy2 = jnp.minimum(b2, by2)
                w = jnp.maximum(xx2 - xx1, 0.0)
                h = jnp.maximum(yy2 - yy1, 0.0)
                inter = w * h
                iou = inter / (ka + carea - inter + jnp.float32(1e-9))
                bad = jnp.logical_or(bad, iou > _NMS_THRESH)
            sup = plsc.all_reduce_population_count(bad)[0] > 0
            keep = jnp.logical_not(sup)

            plsc.store_scatter(av, [i0], minf_v, mask=lane0)
            m0 = plsc.cummax(plsc.load_gather(av, [i1 * 16 + iota]))
            m0 = jnp.where(m0 >= _SCORE_THRESH, m0, minf_v)
            plsc.store_scatter(l1, [i1], m0, mask=lane15)
            m1 = plsc.cummax(plsc.load_gather(l1, [i2 * 16 + iota]))
            plsc.store_scatter(l2, [i2], m1, mask=lane15)
            m2 = plsc.cummax(plsc.load_gather(l2, [i3 * 16 + iota]))
            v3n = jnp.where(iota == i3, jnp.broadcast_to(m2[15], (_L,)), v3)
            mn = jnp.max(v3n)

            kcv = jnp.broadcast_to(kc, (_L,))

            @pl.when(keep)
            def _emit():
                row = jnp.where(iota == 0, bx1,
                      jnp.where(iota == 1, by1,
                      jnp.where(iota == 2, bx2,
                      jnp.where(iota == 3, by2, mv))))
                plsc.store_scatter(ost, [kcv * 8 + iota], row, mask=out_mask)
                plsc.store_scatter(kx1, [kcv], bx1, mask=lane0)
                plsc.store_scatter(ky1, [kcv], by1, mask=lane0)
                plsc.store_scatter(kx2, [kcv], bx2, mask=lane0)
                plsc.store_scatter(ky2, [kcv], by2, mask=lane0)
                plsc.store_scatter(kar, [kcv], carea, mask=lane0)

            return kc + keep.astype(jnp.int32), mn, v3n

        kc_end, _, _ = lax.while_loop(cond, body, (jnp.int32(0), mi, v3i))

        @pl.when(kc_end < _MAX_DET)
        def _drain():
            z = iota * 0
            row0 = jnp.where(iota == 0, plsc.load_gather(xv1, [z]),
                   jnp.where(iota == 1, plsc.load_gather(yv1, [z]),
                   jnp.where(iota == 2, plsc.load_gather(xv2, [z]),
                   jnp.where(iota == 3, plsc.load_gather(yv2, [z]), minf_v))))

            def dbody(kc):
                kcv = jnp.broadcast_to(kc, (_L,))
                plsc.store_scatter(ost, [kcv * 8 + iota], row0, mask=out_mask)
                return kc + 1

            lax.while_loop(lambda kc: kc < _MAX_DET, dbody, kc_end)

        pltpu.sync_copy(ost, oh)


_sc_call = functools.partial(
    pl.kernel,
    out_type=jax.ShapeDtypeStruct((1024,), jnp.float32),
    mesh=plsc.VectorSubcoreMesh(core_axis_name="c", subcore_axis_name="s"),
    compiler_params=pltpu.CompilerParams(needs_layout_passes=False),
    scratch_types=[
        pltpu.VMEM((_NPAD,), jnp.float32),
        pltpu.VMEM((_NPAD,), jnp.float32),
        pltpu.VMEM((_NPAD,), jnp.float32),
        pltpu.VMEM((_NPAD,), jnp.float32),
        pltpu.VMEM((_NPAD,), jnp.float32),
        pltpu.VMEM((1280,), jnp.float32),
        pltpu.VMEM((256,), jnp.float32),
        pltpu.VMEM((128,), jnp.float32),
        pltpu.VMEM((128,), jnp.float32),
        pltpu.VMEM((128,), jnp.float32),
        pltpu.VMEM((128,), jnp.float32),
        pltpu.VMEM((128,), jnp.float32),
        pltpu.VMEM((1024,), jnp.float32),
        pltpu.SemaphoreType.DMA,
        pltpu.SemaphoreType.DMA,
        pltpu.SemaphoreType.DMA,
        pltpu.SemaphoreType.DMA,
        pltpu.SemaphoreType.DMA,
    ],
)(_sc_body)


def kernel(boxes, scores):
    pad = _NPAD - _N
    x1 = jnp.pad(boxes[:, 0], (0, pad))
    y1 = jnp.pad(boxes[:, 1], (0, pad))
    x2 = jnp.pad(boxes[:, 2], (0, pad))
    y2 = jnp.pad(boxes[:, 3], (0, pad))
    s = jnp.pad(scores, (0, pad), constant_values=-1.0)
    out = _sc_call(x1, y1, x2, y2, s)
    return out.reshape(128, 8)[:_MAX_DET, :5]

# --- scband reference (transcript-rebuilt; emitter-appended) ---
"""Pipeline reference for scband-roibox-head-6983616824227 (READ-ONLY COPY).

The authoritative reference and input builder live on the scoring server;
editing this copy changes nothing except your own understanding.
"""

import jax, jax.numpy as jnp
import numpy as np
from jax import lax

SCORE_THRESH = 0.05
NMS_THRESH = 0.5
MAX_DET = 100
N = 20000


def setup_inputs(seed: int = 0) -> dict:
    key = jax.random.key(seed)
    k1, k2 = jax.random.split(key)
    boxes = jax.random.uniform(k1, (N, 4), dtype=jnp.float32)
    scores = jax.random.uniform(k2, (N,), dtype=jnp.float32)
    return {"boxes": boxes, "scores": scores}


def reference(boxes, scores):
    # PostProcessor-style score threshold + greedy NMS, fixed MAX_DET iterations.
    x1 = boxes[:, 0]; y1 = boxes[:, 1]; x2 = boxes[:, 2]; y2 = boxes[:, 3]
    areas = (x2 - x1) * (y2 - y1)
    s0 = jnp.where(scores >= SCORE_THRESH, scores, -jnp.inf)

    def step(s, _):
        i = jnp.argmax(s)
        bscore = s[i]
        bbox = boxes[i]
        xx1 = jnp.maximum(bbox[0], x1)
        yy1 = jnp.maximum(bbox[1], y1)
        xx2 = jnp.minimum(bbox[2], x2)
        yy2 = jnp.minimum(bbox[3], y2)
        w = jnp.maximum(xx2 - xx1, 0.0)
        h = jnp.maximum(yy2 - yy1, 0.0)
        inter = w * h
        barea = (bbox[2] - bbox[0]) * (bbox[3] - bbox[1])
        iou = inter / (barea + areas - inter + 1e-9)
        suppress = iou > NMS_THRESH
        s_new = jnp.where(suppress, -jnp.inf, s)
        s_new = s_new.at[i].set(-jnp.inf)
        return s_new, (bbox, bscore)

    _, (keep_boxes, keep_scores) = lax.scan(step, s0, xs=None, length=MAX_DET)
    # [MAX_DET, 5]: kept boxes with their scores (greedy-NMS survivors)
    return jnp.concatenate([keep_boxes, keep_scores[:, None]], axis=1)

if __name__ == "__main__":
    import jax
    _d = setup_inputs()
    print(jax.jit(kernel)(*tuple(_d.values())))

</pallas_src>

<mosaic_0001>
#map = affine_map<(d0, d1) -> (0)>
module attributes {stable_mosaic.version = 14 : i64} {
  func.func @_sc_body(%arg0: i32, %arg1: i32, %arg2: memref<20480xf32, #tpu.memory_space<hbm>>, %arg3: memref<20480xf32, #tpu.memory_space<hbm>>, %arg4: memref<20480xf32, #tpu.memory_space<hbm>>, %arg5: memref<20480xf32, #tpu.memory_space<hbm>>, %arg6: memref<20480xf32, #tpu.memory_space<hbm>>, %arg7: memref<1024xf32, #tpu.memory_space<hbm>>, %arg8: memref<20480xf32, #tpu.memory_space<vmem>>, %arg9: memref<20480xf32, #tpu.memory_space<vmem>>, %arg10: memref<20480xf32, #tpu.memory_space<vmem>>, %arg11: memref<20480xf32, #tpu.memory_space<vmem>>, %arg12: memref<20480xf32, #tpu.memory_space<vmem>>, %arg13: memref<1280xf32, #tpu.memory_space<vmem>>, %arg14: memref<256xf32, #tpu.memory_space<vmem>>, %arg15: memref<128xf32, #tpu.memory_space<vmem>>, %arg16: memref<128xf32, #tpu.memory_space<vmem>>, %arg17: memref<128xf32, #tpu.memory_space<vmem>>, %arg18: memref<128xf32, #tpu.memory_space<vmem>>, %arg19: memref<128xf32, #tpu.memory_space<vmem>>, %arg20: memref<1024xf32, #tpu.memory_space<vmem>>, %arg21: memref<!tpu.dma_semaphore, #tpu.memory_space<semaphore_mem>>, %arg22: memref<!tpu.dma_semaphore, #tpu.memory_space<semaphore_mem>>, %arg23: memref<!tpu.dma_semaphore, #tpu.memory_space<semaphore_mem>>, %arg24: memref<!tpu.dma_semaphore, #tpu.memory_space<semaphore_mem>>, %arg25: memref<!tpu.dma_semaphore, #tpu.memory_space<semaphore_mem>>) attributes {dimension_semantics = [#tpu.dimension_semantics<core_parallel>, #tpu.dimension_semantics<subcore_parallel>], iteration_bounds = array<i64: 2, 16>, scalar_prefetch = 0 : i64, scratch_operands = 18 : i64, tpu.core_type = #tpu.core_type<sc_vector_subcore>, window_params = [{transform_indices = #map}, {transform_indices = #map}, {transform_indices = #map}, {transform_indices = #map}, {transform_indices = #map}, {transform_indices = #map}]} {
    %eq3A = arith.constant 0 : i32
    %eq3A_0 = arith.cmpi eq, %arg0, %eq3A : i32
    %eq3A_1 = arith.constant 0 : i32
    %eq3A_2 = arith.cmpi eq, %arg1, %eq3A_1 : i32
    %and3A = arith.andi %eq3A_0, %eq3A_2 : i1
    %convert_element_type3A = arith.extui %and3A : i1 to i32
    %cond3A = arith.constant 0 : i32
    %cond3A_3 = arith.cmpi ne, %convert_element_type3A, %cond3A : i32
    scf.if %cond3A_3 {
      %iota3A = tpu.iota {dimensions = array<i32: 0>} : vector<16xi32>
      %eq3A_4 = arith.constant 0 : i32
      %eq3A_5 = vector.broadcast %eq3A_4 : i32 to vector<16xi32>
      %eq3A_6 = arith.cmpi eq, %iota3A, %eq3A_5 : vector<16xi32>
      %eq3A_7 = arith.constant 15 : i32
      %eq3A_8 = vector.broadcast %eq3A_7 : i32 to vector<16xi32>
      %eq3A_9 = arith.cmpi eq, %iota3A, %eq3A_8 : vector<16xi32>
      %lt3A = arith.constant 5 : i32
      %lt3A_10 = vector.broadcast %lt3A : i32 to vector<16xi32>
      %lt3A_11 = arith.cmpi slt, %iota3A, %lt3A_10 : vector<16xi32>
      %broadcast_in_dim3A = arith.constant 0xFF800000 : f32
      %broadcast_in_dim3A_12 = vector.broadcast %broadcast_in_dim3A : f32 to vector<16xf32>
      %broadcast_in_dim3A_13 = arith.constant 0.000000e+00 : f32
      %broadcast_in_dim3A_14 = vector.broadcast %broadcast_in_dim3A_13 : f32 to vector<16xf32>
      tpu.enqueue_dma source(%arg6 : memref<20480xf32, #tpu.memory_space<hbm>>) target(%arg12 : memref<20480xf32, #tpu.memory_space<vmem>>) target_semaphore(%arg21 : memref<!tpu.dma_semaphore, #tpu.memory_space<semaphore_mem>>)
      tpu.enqueue_dma source(%arg2 : memref<20480xf32, #tpu.memory_space<hbm>>) target(%arg8 : memref<20480xf32, #tpu.memory_space<vmem>>) target_semaphore(%arg22 : memref<!tpu.dma_semaphore, #tpu.memory_space<semaphore_mem>>)
      tpu.enqueue_dma source(%arg3 : memref<20480xf32, #tpu.memory_space<hbm>>) target(%arg9 : memref<20480xf32, #tpu.memory_space<vmem>>) target_semaphore(%arg23 : memref<!tpu.dma_semaphore, #tpu.memory_space<semaphore_mem>>)
      tpu.enqueue_dma source(%arg4 : memref<20480xf32, #tpu.memory_space<hbm>>) target(%arg10 : memref<20480xf32, #tpu.memory_space<vmem>>) target_semaphore(%arg24 : memref<!tpu.dma_semaphore, #tpu.memory_space<semaphore_mem>>)
      tpu.enqueue_dma source(%arg5 : memref<20480xf32, #tpu.memory_space<hbm>>) target(%arg11 : memref<20480xf32, #tpu.memory_space<vmem>>) target_semaphore(%arg25 : memref<!tpu.dma_semaphore, #tpu.memory_space<semaphore_mem>>)
      %swap3A = arith.constant 0 : index
      %swap3A_15 = tpu.vector_load %arg15[%swap3A] {strides = array<i32>} : memref<128xf32, #tpu.memory_space<vmem>>, vector<16xf32>,
      tpu.vector_store %arg15[%swap3A], %broadcast_in_dim3A_14 {strides = array<i32>} : memref<128xf32, #tpu.memory_space<vmem>>, vector<16xf32>,
      %swap3A_16 = arith.constant 0 : index
      %swap3A_17 = tpu.vector_load %arg16[%swap3A_16] {strides = array<i32>} : memref<128xf32, #tpu.memory_space<vmem>>, vector<16xf32>,
      tpu.vector_store %arg16[%swap3A_16], %broadcast_in_dim3A_14 {strides = array<i32>} : memref<128xf32, #tpu.memory_space<vmem>>, vector<16xf32>,
      %swap3A_18 = arith.constant 0 : index
      %swap3A_19 = tpu.vector_load %arg17[%swap3A_18] {strides = array<i32>} : memref<128xf32, #tpu.memory_space<vmem>>, vector<16xf32>,
      tpu.vector_store %arg17[%swap3A_18], %broadcast_in_dim3A_14 {strides = array<i32>} : memref<128xf32, #tpu.memory_space<vmem>>, vector<16xf32>,
      %swap3A_20 = arith.constant 0 : index
      %swap3A_21 = tpu.vector_load %arg18[%swap3A_20] {strides = array<i32>} : memref<128xf32, #tpu.memory_space<vmem>>, vector<16xf32>,
      tpu.vector_store %arg18[%swap3A_20], %broadcast_in_dim3A_14 {strides = array<i32>} : memref<128xf32, #tpu.memory_space<vmem>>, vector<16xf32>,
      %swap3A_22 = arith.constant 0 : index
      %swap3A_23 = tpu.vector_load %arg19[%swap3A_22] {strides = array<i32>} : memref<128xf32, #tpu.memory_space<vmem>>, vector<16xf32>,
      tpu.vector_store %arg19[%swap3A_22], %broadcast_in_dim3A_14 {strides = array<i32>} : memref<128xf32, #tpu.memory_space<vmem>>, vector<16xf32>,
      %swap3A_24 = arith.constant 16 : index
      %swap3A_25 = tpu.vector_load %arg15[%swap3A_24] {strides = array<i32>} : memref<128xf32, #tpu.memory_space<vmem>>, vector<16xf32>,
      tpu.vector_store %arg15[%swap3A_24], %broadcast_in_dim3A_14 {strides = array<i32>} : memref<128xf32, #tpu.memory_space<vmem>>, vector<16xf32>,
      %swap3A_26 = arith.constant 16 : index
      %swap3A_27 = tpu.vector_load %arg16[%swap3A_26] {strides = array<i32>} : memref<128xf32, #tpu.memory_space<vmem>>, vector<16xf32>,
      tpu.vector_store %arg16[%swap3A_26], %broadcast_in_dim3A_14 {strides = array<i32>} : memref<128xf32, #tpu.memory_space<vmem>>, vector<16xf32>,
      %swap3A_28 = arith.constant 16 : index
      %swap3A_29 = tpu.vector_load %arg17[%swap3A_28] {strides = array<i32>} : memref<128xf32, #tpu.memory_space<vmem>>, vector<16xf32>,
      tpu.vector_store %arg17[%swap3A_28], %broadcast_in_dim3A_14 {strides = array<i32>} : memref<128xf32, #tpu.memory_space<vmem>>, vector<16xf32>,
      %swap3A_30 = arith.constant 16 : index
      %swap3A_31 = tpu.vector_load %arg18[%swap3A_30] {strides = array<i32>} : memref<128xf32, #tpu.memory_space<vmem>>, vector<16xf32>,
      tpu.vector_store %arg18[%swap3A_30], %broadcast_in_dim3A_14 {strides = array<i32>} : memref<128xf32, #tpu.memory_space<vmem>>, vector<16xf32>,
      %swap3A_32 = arith.constant 16 : index
      %swap3A_33 = tpu.vector_load %arg19[%swap3A_32] {strides = array<i32>} : memref<128xf32, #tpu.memory_space<vmem>>, vector<16xf32>,
      tpu.vector_store %arg19[%swap3A_32], %broadcast_in_dim3A_14 {strides = array<i32>} : memref<128xf32, #tpu.memory_space<vmem>>, vector<16xf32>,
      %swap3A_34 = arith.constant 32 : index
      %swap3A_35 = tpu.vector_load %arg15[%swap3A_34] {strides = array<i32>} : memref<128xf32, #tpu.memory_space<vmem>>, vector<16xf32>,
      tpu.vector_store %arg15[%swap3A_34], %broadcast_in_dim3A_14 {strides = array<i32>} : memref<128xf32, #tpu.memory_space<vmem>>, vector<16xf32>,
      %swap3A_36 = arith.constant 32 : index
      %swap3A_37 = tpu.vector_load %arg16[%swap3A_36] {strides = array<i32>} : memref<128xf32, #tpu.memory_space<vmem>>, vector<16xf32>,
      tpu.vector_store %arg16[%swap3A_36], %broadcast_in_dim3A_14 {strides = array<i32>} : memref<128xf32, #tpu.memory_space<vmem>>, vector<16xf32>,
      %swap3A_38 = arith.constant 32 : index
      %swap3A_39 = tpu.vector_load %arg17[%swap3A_38] {strides = array<i32>} : memref<128xf32, #tpu.memory_space<vmem>>, vector<16xf32>,
      tpu.vector_store %arg17[%swap3A_38], %broadcast_in_dim3A_14 {strides = array<i32>} : memref<128xf32, #tpu.memory_space<vmem>>, vector<16xf32>,
      %swap3A_40 = arith.constant 32 : index
      %swap3A_41 = tpu.vector_load %arg18[%swap3A_40] {strides = array<i32>} : memref<128xf32, #tpu.memory_space<vmem>>, vector<16xf32>,
      tpu.vector_store %arg18[%swap3A_40], %broadcast_in_dim3A_14 {strides = array<i32>} : memref<128xf32, #tpu.memory_space<vmem>>, vector<16xf32>,
      %swap3A_42 = arith.constant 32 : index
      %swap3A_43 = tpu.vector_load %arg19[%swap3A_42] {strides = array<i32>} : memref<128xf32, #tpu.memory_space<vmem>>, vector<16xf32>,
      tpu.vector_store %arg19[%swap3A_42], %broadcast_in_dim3A_14 {strides = array<i32>} : memref<128xf32, #tpu.memory_space<vmem>>, vector<16xf32>,
      %swap3A_44 = arith.constant 48 : index
      %swap3A_45 = tpu.vector_load %arg15[%swap3A_44] {strides = array<i32>} : memref<128xf32, #tpu.memory_space<vmem>>, vector<16xf32>,
      tpu.vector_store %arg15[%swap3A_44], %broadcast_in_dim3A_14 {strides = array<i32>} : memref<128xf32, #tpu.memory_space<vmem>>, vector<16xf32>,
      %swap3A_46 = arith.constant 48 : index
      %swap3A_47 = tpu.vector_load %arg16[%swap3A_46] {strides = array<i32>} : memref<128xf32, #tpu.memory_space<vmem>>, vector<16xf32>,
      tpu.vector_store %arg16[%swap3A_46], %broadcast_in_dim3A_14 {strides = array<i32>} : memref<128xf32, #tpu.memory_space<vmem>>, vector<16xf32>,
      %swap3A_48 = arith.constant 48 : index
      %swap3A_49 = tpu.vector_load %arg17[%swap3A_48] {strides = array<i32>} : memref<128xf32, #tpu.memory_space<vmem>>, vector<16xf32>,
      tpu.vector_store %arg17[%swap3A_48], %broadcast_in_dim3A_14 {strides = array<i32>} : memref<128xf32, #tpu.memory_space<vmem>>, vector<16xf32>,
      %swap3A_50 = arith.constant 48 : index
      %swap3A_51 = tpu.vector_load %arg18[%swap3A_50] {strides = array<i32>} : memref<128xf32, #tpu.memory_space<vmem>>, vector<16xf32>,
      tpu.vector_store %arg18[%swap3A_50], %broadcast_in_dim3A_14 {strides = array<i32>} : memref<128xf32, #tpu.memory_space<vmem>>, vector<16xf32>,
      %swap3A_52 = arith.constant 48 : index
      %swap3A_53 = tpu.vector_load %arg19[%swap3A_52] {strides = array<i32>} : memref<128xf32, #tpu.memory_space<vmem>>, vector<16xf32>,
      tpu.vector_store %arg19[%swap3A_52], %broadcast_in_dim3A_14 {strides = array<i32>} : memref<128xf32, #tpu.memory_space<vmem>>, vector<16xf32>,
      %swap3A_54 = arith.constant 64 : index
      %swap3A_55 = tpu.vector_load %arg15[%swap3A_54] {strides = array<i32>} : memref<128xf32, #tpu.memory_space<vmem>>, vector<16xf32>,
      tpu.vector_store %arg15[%swap3A_54], %broadcast_in_dim3A_14 {strides = array<i32>} : memref<128xf32, #tpu.memory_space<vmem>>, vector<16xf32>,
      %swap3A_56 = arith.constant 64 : index
      %swap3A_57 = tpu.vector_load %arg16[%swap3A_56] {strides = array<i32>} : memref<128xf32, #tpu.memory_space<vmem>>, vector<16xf32>,
      tpu.vector_store %arg16[%swap3A_56], %broadcast_in_dim3A_14 {strides = array<i32>} : memref<128xf32, #tpu.memory_space<vmem>>, vector<16xf32>,
      %swap3A_58 = arith.constant 64 : index
      %swap3A_59 = tpu.vector_load %arg17[%swap3A_58] {strides = array<i32>} : memref<128xf32, #tpu.memory_space<vmem>>, vector<16xf32>,
      tpu.vector_store %arg17[%swap3A_58], %broadcast_in_dim3A_14 {strides = array<i32>} : memref<128xf32, #tpu.memory_space<vmem>>, vector<16xf32>,
      %swap3A_60 = arith.constant 64 : index
      %swap3A_61 = tpu.vector_load %arg18[%swap3A_60] {strides = array<i32>} : memref<128xf32, #tpu.memory_space<vmem>>, vector<16xf32>,
      tpu.vector_store %arg18[%swap3A_60], %broadcast_in_dim3A_14 {strides = array<i32>} : memref<128xf32, #tpu.memory_space<vmem>>, vector<16xf32>,
      %swap3A_62 = arith.constant 64 : index
      %swap3A_63 = tpu.vector_load %arg19[%swap3A_62] {strides = array<i32>} : memref<128xf32, #tpu.memory_space<vmem>>, vector<16xf32>,
      tpu.vector_store %arg19[%swap3A_62], %broadcast_in_dim3A_14 {strides = array<i32>} : memref<128xf32, #tpu.memory_space<vmem>>, vector<16xf32>,
      %swap3A_64 = arith.constant 80 : index
      %swap3A_65 = tpu.vector_load %arg15[%swap3A_64] {strides = array<i32>} : memref<128xf32, #tpu.memory_space<vmem>>, vector<16xf32>,
      tpu.vector_store %arg15[%swap3A_64], %broadcast_in_dim3A_14 {strides = array<i32>} : memref<128xf32, #tpu.memory_space<vmem>>, vector<16xf32>,
      %swap3A_66 = arith.constant 80 : index
      %swap3A_67 = tpu.vector_load %arg16[%swap3A_66] {strides = array<i32>} : memref<128xf32, #tpu.memory_space<vmem>>, vector<16xf32>,
      tpu.vector_store %arg16[%swap3A_66], %broadcast_in_dim3A_14 {strides = array<i32>} : memref<128xf32, #tpu.memory_space<vmem>>, vector<16xf32>,
      %swap3A_68 = arith.constant 80 : index
      %swap3A_69 = tpu.vector_load %arg17[%swap3A_68] {strides = array<i32>} : memref<128xf32, #tpu.memory_space<vmem>>, vector<16xf32>,
      tpu.vector_store %arg17[%swap3A_68], %broadcast_in_dim3A_14 {strides = array<i32>} : memref<128xf32, #tpu.memory_space<vmem>>, vector<16xf32>,
      %swap3A_70 = arith.constant 80 : index
      %swap3A_71 = tpu.vector_load %arg18[%swap3A_70] {strides = array<i32>} : memref<128xf32, #tpu.memory_space<vmem>>, vector<16xf32>,
      tpu.vector_store %arg18[%swap3A_70], %broadcast_in_dim3A_14 {strides = array<i32>} : memref<128xf32, #tpu.memory_space<vmem>>, vector<16xf32>,
      %swap3A_72 = arith.constant 80 : index
      %swap3A_73 = tpu.vector_load %arg19[%swap3A_72] {strides = array<i32>} : memref<128xf32, #tpu.memory_space<vmem>>, vector<16xf32>,
      tpu.vector_store %arg19[%swap3A_72], %broadcast_in_dim3A_14 {strides = array<i32>} : memref<128xf32, #tpu.memory_space<vmem>>, vector<16xf32>,
      %swap3A_74 = arith.constant 96 : index
      %swap3A_75 = tpu.vector_load %arg15[%swap3A_74] {strides = array<i32>} : memref<128xf32, #tpu.memory_space<vmem>>, vector<16xf32>,
      tpu.vector_store %arg15[%swap3A_74], %broadcast_in_dim3A_14 {strides = array<i32>} : memref<128xf32, #tpu.memory_space<vmem>>, vector<16xf32>,
      %swap3A_76 = arith.constant 96 : index
      %swap3A_77 = tpu.vector_load %arg16[%swap3A_76] {strides = array<i32>} : memref<128xf32, #tpu.memory_space<vmem>>, vector<16xf32>,
      tpu.vector_store %arg16[%swap3A_76], %broadcast_in_dim3A_14 {strides = array<i32>} : memref<128xf32, #tpu.memory_space<vmem>>, vector<16xf32>,
      %swap3A_78 = arith.constant 96 : index
      %swap3A_79 = tpu.vector_load %arg17[%swap3A_78] {strides = array<i32>} : memref<128xf32, #tpu.memory_space<vmem>>, vector<16xf32>,
      tpu.vector_store %arg17[%swap3A_78], %broadcast_in_dim3A_14 {strides = array<i32>} : memref<128xf32, #tpu.memory_space<vmem>>, vector<16xf32>,
      %swap3A_80 = arith.constant 96 : index
      %swap3A_81 = tpu.vector_load %arg18[%swap3A_80] {strides = array<i32>} : memref<128xf32, #tpu.memory_space<vmem>>, vector<16xf32>,
      tpu.vector_store %arg18[%swap3A_80], %broadcast_in_dim3A_14 {strides = array<i32>} : memref<128xf32, #tpu.memory_space<vmem>>, vector<16xf32>,
      %swap3A_82 = arith.constant 96 : index
      %swap3A_83 = tpu.vector_load %arg19[%swap3A_82] {strides = array<i32>} : memref<128xf32, #tpu.memory_space<vmem>>, vector<16xf32>,
      tpu.vector_store %arg19[%swap3A_82], %broadcast_in_dim3A_14 {strides = array<i32>} : memref<128xf32, #tpu.memory_space<vmem>>, vector<16xf32>,
      %swap3A_84 = arith.constant 112 : index
      %swap3A_85 = tpu.vector_load %arg15[%swap3A_84] {strides = array<i32>} : memref<128xf32, #tpu.memory_space<vmem>>, vector<16xf32>,
      tpu.vector_store %arg15[%swap3A_84], %broadcast_in_dim3A_14 {strides = array<i32>} : memref<128xf32, #tpu.memory_space<vmem>>, vector<16xf32>,
      %swap3A_86 = arith.constant 112 : index
      %swap3A_87 = tpu.vector_load %arg16[%swap3A_86] {strides = array<i32>} : memref<128xf32, #tpu.memory_space<vmem>>, vector<16xf32>,
      tpu.vector_store %arg16[%swap3A_86], %broadcast_in_dim3A_14 {strides = array<i32>} : memref<128xf32, #tpu.memory_space<vmem>>, vector<16xf32>,
      %swap3A_88 = arith.constant 112 : index
      %swap3A_89 = tpu.vector_load %arg17[%swap3A_88] {strides = array<i32>} : memref<128xf32, #tpu.memory_space<vmem>>, vector<16xf32>,
      tpu.vector_store %arg17[%swap3A_88], %broadcast_in_dim3A_14 {strides = array<i32>} : memref<128xf32, #tpu.memory_space<vmem>>, vector<16xf32>,
      %swap3A_90 = arith.constant 112 : index
      %swap3A_91 = tpu.vector_load %arg18[%swap3A_90] {strides = array<i32>} : memref<128xf32, #tpu.memory_space<vmem>>, vector<16xf32>,
      tpu.vector_store %arg18[%swap3A_90], %broadcast_in_dim3A_14 {strides = array<i32>} : memref<128xf32, #tpu.memory_space<vmem>>, vector<16xf32>,
      %swap3A_92 = arith.constant 112 : index
      %swap3A_93 = tpu.vector_load %arg19[%swap3A_92] {strides = array<i32>} : memref<128xf32, #tpu.memory_space<vmem>>, vector<16xf32>,
      tpu.vector_store %arg19[%swap3A_92], %broadcast_in_dim3A_14 {strides = array<i32>} : memref<128xf32, #tpu.memory_space<vmem>>, vector<16xf32>,
      tpu.wait_dma2 semaphore(%arg21 : memref<!tpu.dma_semaphore, #tpu.memory_space<semaphore_mem>>) src(%arg6 : memref<20480xf32, #tpu.memory_space<hbm>>) dst(%arg12 : memref<20480xf32, #tpu.memory_space<vmem>>)
      %scan3A = arith.constant 0 : i32
      %scan3A_94 = arith.constant 0 : i32
      %scan3A_95 = arith.constant 80 : i32
      %scan3A_96 = arith.addi %scan3A_94, %scan3A_95 : i32
      %scan3A_97 = arith.constant 1 : i32
      scf.for %scan3A_271 = %scan3A_94 to %scan3A_96 step %scan3A_97  : i32 {
        %mul3A_272 = arith.constant 256 : i32
        %mul3A_273 = arith.muli %scan3A_271, %mul3A_272 : i32
        %mul3A_274 = arith.constant 16 : i32
        %mul3A_275 = vector.broadcast %mul3A_274 : i32 to vector<16xi32>
        %mul3A_276 = arith.muli %iota3A, %mul3A_275 : vector<16xi32>
        %add3A_277 = vector.broadcast %mul3A_273 : i32 to vector<16xi32>
        %add3A_278 = arith.addi %add3A_277, %mul3A_276 : vector<16xi32>
        %add3A_279 = arith.constant 0 : i32
        %add3A_280 = vector.broadcast %add3A_279 : i32 to vector<16xi32>
        %add3A_281 = arith.addi %add3A_278, %add3A_280 : vector<16xi32>
        %gather3A_282 = tpu.vector_load_idx %arg12[%add3A_281] : memref<20480xf32, #tpu.memory_space<vmem>>[vector<16xi32>], vector<16xf32>,
        %max3A_283 = arith.maximumf %broadcast_in_dim3A_12, %gather3A_282 : vector<16xf32>
        %mul3A_284 = arith.constant 16 : i32
        %mul3A_285 = vector.broadcast %mul3A_284 : i32 to vector<16xi32>
        %mul3A_286 = arith.muli %iota3A, %mul3A_285 : vector<16xi32>
        %add3A_287 = vector.broadcast %mul3A_273 : i32 to vector<16xi32>
        %add3A_288 = arith.addi %add3A_287, %mul3A_286 : vector<16xi32>
        %add3A_289 = arith.constant 1 : i32
        %add3A_290 = vector.broadcast %add3A_289 : i32 to vector<16xi32>
        %add3A_291 = arith.addi %add3A_288, %add3A_290 : vector<16xi32>
        %gather3A_292 = tpu.vector_load_idx %arg12[%add3A_291] : memref<20480xf32, #tpu.memory_space<vmem>>[vector<16xi32>], vector<16xf32>,
        %max3A_293 = arith.maximumf %max3A_283, %gather3A_292 : vector<16xf32>
        %mul3A_294 = arith.constant 16 : i32
        %mul3A_295 = vector.broadcast %mul3A_294 : i32 to vector<16xi32>
        %mul3A_296 = arith.muli %iota3A, %mul3A_295 : vector<16xi32>
        %add3A_297 = vector.broadcast %mul3A_273 : i32 to vector<16xi32>
        %add3A_298 = arith.addi %add3A_297, %mul3A_296 : vector<16xi32>
        %add3A_299 = arith.constant 2 : i32
        %add3A_300 = vector.broadcast %add3A_299 : i32 to vector<16xi32>
        %add3A_301 = arith.addi %add3A_298, %add3A_300 : vector<16xi32>
        %gather3A_302 = tpu.vector_load_idx %arg12[%add3A_301] : memref<20480xf32, #tpu.memory_space<vmem>>[vector<16xi32>], vector<16xf32>,
        %max3A_303 = arith.maximumf %max3A_293, %gather3A_302 : vector<16xf32>
        %mul3A_304 = arith.constant 16 : i32
        %mul3A_305 = vector.broadcast %mul3A_304 : i32 to vector<16xi32>
        %mul3A_306 = arith.muli %iota3A, %mul3A_305 : vector<16xi32>
        %add3A_307 = vector.broadcast %mul3A_273 : i32 to vector<16xi32>
        %add3A_308 = arith.addi %add3A_307, %mul3A_306 : vector<16xi32>
        %add3A_309 = arith.constant 3 : i32
        %add3A_310 = vector.broadcast %add3A_309 : i32 to vector<16xi32>
        %add3A_311 = arith.addi %add3A_308, %add3A_310 : vector<16xi32>
        %gather3A_312 = tpu.vector_load_idx %arg12[%add3A_311] : memref<20480xf32, #tpu.memory_space<vmem>>[vector<16xi32>], vector<16xf32>,
        %max3A_313 = arith.maximumf %max3A_303, %gather3A_312 : vector<16xf32>
        %mul3A_314 = arith.constant 16 : i32
        %mul3A_315 = vector.broadcast %mul3A_314 : i32 to vector<16xi32>
        %mul3A_316 = arith.muli %iota3A, %mul3A_315 : vector<16xi32>
        %add3A_317 = vector.broadcast %mul3A_273 : i32 to vector<16xi32>
        %add3A_318 = arith.addi %add3A_317, %mul3A_316 : vector<16xi32>
        %add3A_319 = arith.constant 4 : i32
        %add3A_320 = vector.broadcast %add3A_319 : i32 to vector<16xi32>
        %add3A_321 = arith.addi %add3A_318, %add3A_320 : vector<16xi32>
        %gather3A_322 = tpu.vector_load_idx %arg12[%add3A_321] : memref<20480xf32, #tpu.memory_space<vmem>>[vector<16xi32>], vector<16xf32>,
        %max3A_323 = arith.maximumf %max3A_313, %gather3A_322 : vector<16xf32>
        %mul3A_324 = arith.constant 16 : i32
        %mul3A_325 = vector.broadcast %mul3A_324 : i32 to vector<16xi32>
        %mul3A_326 = arith.muli %iota3A, %mul3A_325 : vector<16xi32>
        %add3A_327 = vector.broadcast %mul3A_273 : i32 to vector<16xi32>
        %add3A_328 = arith.addi %add3A_327, %mul3A_326 : vector<16xi32>
        %add3A_329 = arith.constant 5 : i32
        %add3A_330 = vector.broadcast %add3A_329 : i32 to vector<16xi32>
        %add3A_331 = arith.addi %add3A_328, %add3A_330 : vector<16xi32>
        %gather3A_332 = tpu.vector_load_idx %arg12[%add3A_331] : memref<20480xf32, #tpu.memory_space<vmem>>[vector<16xi32>], vector<16xf32>,
        %max3A_333 = arith.maximumf %max3A_323, %gather3A_332 : vector<16xf32>
        %mul3A_334 = arith.constant 16 : i32
        %mul3A_335 = vector.broadcast %mul3A_334 : i32 to vector<16xi32>
        %mul3A_336 = arith.muli %iota3A, %mul3A_335 : vector<16xi32>
        %add3A_337 = vector.broadcast %mul3A_273 : i32 to vector<16xi32>
        %add3A_338 = arith.addi %add3A_337, %mul3A_336 : vector<16xi32>
        %add3A_339 = arith.constant 6 : i32
        %add3A_340 = vector.broadcast %add3A_339 : i32 to vector<16xi32>
        %add3A_341 = arith.addi %add3A_338, %add3A_340 : vector<16xi32>
        %gather3A_342 = tpu.vector_load_idx %arg12[%add3A_341] : memref<20480xf32, #tpu.memory_space<vmem>>[vector<16xi32>], vector<16xf32>,
        %max3A_343 = arith.maximumf %max3A_333, %gather3A_342 : vector<16xf32>
        %mul3A_344 = arith.constant 16 : i32
        %mul3A_345 = vector.broadcast %mul3A_344 : i32 to vector<16xi32>
        %mul3A_346 = arith.muli %iota3A, %mul3A_345 : vector<16xi32>
        %add3A_347 = vector.broadcast %mul3A_273 : i32 to vector<16xi32>
        %add3A_348 = arith.addi %add3A_347, %mul3A_346 : vector<16xi32>
        %add3A_349 = arith.constant 7 : i32
        %add3A_350 = vector.broadcast %add3A_349 : i32 to vector<16xi32>
        %add3A_351 = arith.addi %add3A_348, %add3A_350 : vector<16xi32>
        %gather3A_352 = tpu.vector_load_idx %arg12[%add3A_351] : memref<20480xf32, #tpu.memory_space<vmem>>[vector<16xi32>], vector<16xf32>,
        %max3A_353 = arith.maximumf %max3A_343, %gather3A_352 : vector<16xf32>
        %mul3A_354 = arith.constant 16 : i32
        %mul3A_355 = vector.broadcast %mul3A_354 : i32 to vector<16xi32>
        %mul3A_356 = arith.muli %iota3A, %mul3A_355 : vector<16xi32>
        %add3A_357 = vector.broadcast %mul3A_273 : i32 to vector<16xi32>
        %add3A_358 = arith.addi %add3A_357, %mul3A_356 : vector<16xi32>
        %add3A_359 = arith.constant 8 : i32
        %add3A_360 = vector.broadcast %add3A_359 : i32 to vector<16xi32>
        %add3A_361 = arith.addi %add3A_358, %add3A_360 : vector<16xi32>
        %gather3A_362 = tpu.vector_load_idx %arg12[%add3A_361] : memref<20480xf32, #tpu.memory_space<vmem>>[vector<16xi32>], vector<16xf32>,
        %max3A_363 = arith.maximumf %max3A_353, %gather3A_362 : vector<16xf32>
        %mul3A_364 = arith.constant 16 : i32
        %mul3A_365 = vector.broadcast %mul3A_364 : i32 to vector<16xi32>
        %mul3A_366 = arith.muli %iota3A, %mul3A_365 : vector<16xi32>
        %add3A_367 = vector.broadcast %mul3A_273 : i32 to vector<16xi32>
        %add3A_368 = arith.addi %add3A_367, %mul3A_366 : vector<16xi32>
        %add3A_369 = arith.constant 9 : i32
        %add3A_370 = vector.broadcast %add3A_369 : i32 to vector<16xi32>
        %add3A_371 = arith.addi %add3A_368, %add3A_370 : vector<16xi32>
        %gather3A_372 = tpu.vector_load_idx %arg12[%add3A_371] : memref<20480xf32, #tpu.memory_space<vmem>>[vector<16xi32>], vector<16xf32>,
        %max3A_373 = arith.maximumf %max3A_363, %gather3A_372 : vector<16xf32>
        %mul3A_374 = arith.constant 16 : i32
        %mul3A_375 = vector.broadcast %mul3A_374 : i32 to vector<16xi32>
        %mul3A_376 = arith.muli %iota3A, %mul3A_375 : vector<16xi32>
        %add3A_377 = vector.broadcast %mul3A_273 : i32 to vector<16xi32>
        %add3A_378 = arith.addi %add3A_377, %mul3A_376 : vector<16xi32>
        %add3A_379 = arith.constant 10 : i32
        %add3A_380 = vector.broadcast %add3A_379 : i32 to vector<16xi32>
        %add3A_381 = arith.addi %add3A_378, %add3A_380 : vector<16xi32>
        %gather3A_382 = tpu.vector_load_idx %arg12[%add3A_381] : memref<20480xf32, #tpu.memory_space<vmem>>[vector<16xi32>], vector<16xf32>,
        %max3A_383 = arith.maximumf %max3A_373, %gather3A_382 : vector<16xf32>
        %mul3A_384 = arith.constant 16 : i32
        %mul3A_385 = vector.broadcast %mul3A_384 : i32 to vector<16xi32>
        %mul3A_386 = arith.muli %iota3A, %mul3A_385 : vector<16xi32>
        %add3A_387 = vector.broadcast %mul3A_273 : i32 to vector<16xi32>
        %add3A_388 = arith.addi %add3A_387, %mul3A_386 : vector<16xi32>
        %add3A_389 = arith.constant 11 : i32
        %add3A_390 = vector.broadcast %add3A_389 : i32 to vector<16xi32>
        %add3A_391 = arith.addi %add3A_388, %add3A_390 : vector<16xi32>
        %gather3A_392 = tpu.vector_load_idx %arg12[%add3A_391] : memref<20480xf32, #tpu.memory_space<vmem>>[vector<16xi32>], vector<16xf32>,
        %max3A_393 = arith.maximumf %max3A_383, %gather3A_392 : vector<16xf32>
        %mul3A_394 = arith.constant 16 : i32
        %mul3A_395 = vector.broadcast %mul3A_394 : i32 to vector<16xi32>
        %mul3A_396 = arith.muli %iota3A, %mul3A_395 : vector<16xi32>
        %add3A_397 = vector.broadcast %mul3A_273 : i32 to vector<16xi32>
        %add3A_398 = arith.addi %add3A_397, %mul3A_396 : vector<16xi32>
        %add3A_399 = arith.constant 12 : i32
        %add3A_400 = vector.broadcast %add3A_399 : i32 to vector<16xi32>
        %add3A_401 = arith.addi %add3A_398, %add3A_400 : vector<16xi32>
        %gather3A_402 = tpu.vector_load_idx %arg12[%add3A_401] : memref<20480xf32, #tpu.memory_space<vmem>>[vector<16xi32>], vector<16xf32>,
        %max3A_403 = arith.maximumf %max3A_393, %gather3A_402 : vector<16xf32>
        %mul3A_404 = arith.constant 16 : i32
        %mul3A_405 = vector.broadcast %mul3A_404 : i32 to vector<16xi32>
        %mul3A_406 = arith.muli %iota3A, %mul3A_405 : vector<16xi32>
        %add3A_407 = vector.broadcast %mul3A_273 : i32 to vector<16xi32>
        %add3A_408 = arith.addi %add3A_407, %mul3A_406 : vector<16xi32>
        %add3A_409 = arith.constant 13 : i32
        %add3A_410 = vector.broadcast %add3A_409 : i32 to vector<16xi32>
        %add3A_411 = arith.addi %add3A_408, %add3A_410 : vector<16xi32>
        %gather3A_412 = tpu.vector_load_idx %arg12[%add3A_411] : memref<20480xf32, #tpu.memory_space<vmem>>[vector<16xi32>], vector<16xf32>,
        %max3A_413 = arith.maximumf %max3A_403, %gather3A_412 : vector<16xf32>
        %mul3A_414 = arith.constant 16 : i32
        %mul3A_415 = vector.broadcast %mul3A_414 : i32 to vector<16xi32>
        %mul3A_416 = arith.muli %iota3A, %mul3A_415 : vector<16xi32>
        %add3A_417 = vector.broadcast %mul3A_273 : i32 to vector<16xi32>
        %add3A_418 = arith.addi %add3A_417, %mul3A_416 : vector<16xi32>
        %add3A_419 = arith.constant 14 : i32
        %add3A_420 = vector.broadcast %add3A_419 : i32 to vector<16xi32>
        %add3A_421 = arith.addi %add3A_418, %add3A_420 : vector<16xi32>
        %gather3A_422 = tpu.vector_load_idx %arg12[%add3A_421] : memref<20480xf32, #tpu.memory_space<vmem>>[vector<16xi32>], vector<16xf32>,
        %max3A_423 = arith.maximumf %max3A_413, %gather3A_422 : vector<16xf32>
        %mul3A_424 = arith.constant 16 : i32
        %mul3A_425 = vector.broadcast %mul3A_424 : i32 to vector<16xi32>
        %mul3A_426 = arith.muli %iota3A, %mul3A_425 : vector<16xi32>
        %add3A_427 = vector.broadcast %mul3A_273 : i32 to vector<16xi32>
        %add3A_428 = arith.addi %add3A_427, %mul3A_426 : vector<16xi32>
        %add3A_429 = arith.constant 15 : i32
        %add3A_430 = vector.broadcast %add3A_429 : i32 to vector<16xi32>
        %add3A_431 = arith.addi %add3A_428, %add3A_430 : vector<16xi32>
        %gather3A_432 = tpu.vector_load_idx %arg12[%add3A_431] : memref<20480xf32, #tpu.memory_space<vmem>>[vector<16xi32>], vector<16xf32>,
        %max3A_433 = arith.maximumf %max3A_423, %gather3A_432 : vector<16xf32>
        %ge3A = arith.constant 5.000000e-02 : f32
        %ge3A_434 = vector.broadcast %ge3A : f32 to vector<16xf32>
        %ge3A_435 = arith.cmpf oge, %max3A_433, %ge3A_434 : vector<16xf32>
        %select_n3A = arith.select %ge3A_435, %max3A_433, %broadcast_in_dim3A_12 : vector<16xi1>, vector<16xf32>
        %mul3A_436 = arith.constant 16 : i32
        %mul3A_437 = arith.muli %scan3A_271, %mul3A_436 : i32
        %add3A_438 = vector.broadcast %mul3A_437 : i32 to vector<16xi32>
        %add3A_439 = arith.addi %add3A_438, %iota3A : vector<16xi32>
        tpu.vector_store_idx %arg13[%add3A_439], %select_n3A : memref<1280xf32, #tpu.memory_space<vmem>>[vector<16xi32>], vector<16xf32>,
      }
      %scan3A_98 = arith.constant 80 : i32
      %swap3A_99 = arith.constant 0 : index
      %swap3A_100 = tpu.vector_load %arg14[%swap3A_99] {strides = array<i32>} : memref<256xf32, #tpu.memory_space<vmem>>, vector<16xf32>,
      tpu.vector_store %arg14[%swap3A_99], %broadcast_in_dim3A_12 {strides = array<i32>} : memref<256xf32, #tpu.memory_space<vmem>>, vector<16xf32>,
      %swap3A_101 = arith.constant 16 : index
      %swap3A_102 = tpu.vector_load %arg14[%swap3A_101] {strides = array<i32>} : memref<256xf32, #tpu.memory_space<vmem>>, vector<16xf32>,
      tpu.vector_store %arg14[%swap3A_101], %broadcast_in_dim3A_12 {strides = array<i32>} : memref<256xf32, #tpu.memory_space<vmem>>, vector<16xf32>,
      %swap3A_103 = arith.constant 32 : index
      %swap3A_104 = tpu.vector_load %arg14[%swap3A_103] {strides = array<i32>} : memref<256xf32, #tpu.memory_space<vmem>>, vector<16xf32>,
      tpu.vector_store %arg14[%swap3A_103], %broadcast_in_dim3A_12 {strides = array<i32>} : memref<256xf32, #tpu.memory_space<vmem>>, vector<16xf32>,
      %swap3A_105 = arith.constant 48 : index
      %swap3A_106 = tpu.vector_load %arg14[%swap3A_105] {strides = array<i32>} : memref<256xf32, #tpu.memory_space<vmem>>, vector<16xf32>,
      tpu.vector_store %arg14[%swap3A_105], %broadcast_in_dim3A_12 {strides = array<i32>} : memref<256xf32, #tpu.memory_space<vmem>>, vector<16xf32>,
      %swap3A_107 = arith.constant 64 : index
      %swap3A_108 = tpu.vector_load %arg14[%swap3A_107] {strides = array<i32>} : memref<256xf32, #tpu.memory_space<vmem>>, vector<16xf32>,
      tpu.vector_store %arg14[%swap3A_107], %broadcast_in_dim3A_12 {strides = array<i32>} : memref<256xf32, #tpu.memory_space<vmem>>, vector<16xf32>,
      %swap3A_109 = arith.constant 80 : index
      %swap3A_110 = tpu.vector_load %arg14[%swap3A_109] {strides = array<i32>} : memref<256xf32, #tpu.memory_space<vmem>>, vector<16xf32>,
      tpu.vector_store %arg14[%swap3A_109], %broadcast_in_dim3A_12 {strides = array<i32>} : memref<256xf32, #tpu.memory_space<vmem>>, vector<16xf32>,
      %swap3A_111 = arith.constant 96 : index
      %swap3A_112 = tpu.vector_load %arg14[%swap3A_111] {strides = array<i32>} : memref<256xf32, #tpu.memory_space<vmem>>, vector<16xf32>,
      tpu.vector_store %arg14[%swap3A_111], %broadcast_in_dim3A_12 {strides = array<i32>} : memref<256xf32, #tpu.memory_space<vmem>>, vector<16xf32>,
      %swap3A_113 = arith.constant 112 : index
      %swap3A_114 = tpu.vector_load %arg14[%swap3A_113] {strides = array<i32>} : memref<256xf32, #tpu.memory_space<vmem>>, vector<16xf32>,
      tpu.vector_store %arg14[%swap3A_113], %broadcast_in_dim3A_12 {strides = array<i32>} : memref<256xf32, #tpu.memory_space<vmem>>, vector<16xf32>,
      %swap3A_115 = arith.constant 128 : index
      %swap3A_116 = tpu.vector_load %arg14[%swap3A_115] {strides = array<i32>} : memref<256xf32, #tpu.memory_space<vmem>>, vector<16xf32>,
      tpu.vector_store %arg14[%swap3A_115], %broadcast_in_dim3A_12 {strides = array<i32>} : memref<256xf32, #tpu.memory_space<vmem>>, vector<16xf32>,
      %swap3A_117 = arith.constant 144 : index
      %swap3A_118 = tpu.vector_load %arg14[%swap3A_117] {strides = array<i32>} : memref<256xf32, #tpu.memory_space<vmem>>, vector<16xf32>,
      tpu.vector_store %arg14[%swap3A_117], %broadcast_in_dim3A_12 {strides = array<i32>} : memref<256xf32, #tpu.memory_space<vmem>>, vector<16xf32>,
      %swap3A_119 = arith.constant 160 : index
      %swap3A_120 = tpu.vector_load %arg14[%swap3A_119] {strides = array<i32>} : memref<256xf32, #tpu.memory_space<vmem>>, vector<16xf32>,
      tpu.vector_store %arg14[%swap3A_119], %broadcast_in_dim3A_12 {strides = array<i32>} : memref<256xf32, #tpu.memory_space<vmem>>, vector<16xf32>,
      %swap3A_121 = arith.constant 176 : index
      %swap3A_122 = tpu.vector_load %arg14[%swap3A_121] {strides = array<i32>} : memref<256xf32, #tpu.memory_space<vmem>>, vector<16xf32>,
      tpu.vector_store %arg14[%swap3A_121], %broadcast_in_dim3A_12 {strides = array<i32>} : memref<256xf32, #tpu.memory_space<vmem>>, vector<16xf32>,
      %swap3A_123 = arith.constant 192 : index
      %swap3A_124 = tpu.vector_load %arg14[%swap3A_123] {strides = array<i32>} : memref<256xf32, #tpu.memory_space<vmem>>, vector<16xf32>,
      tpu.vector_store %arg14[%swap3A_123], %broadcast_in_dim3A_12 {strides = array<i32>} : memref<256xf32, #tpu.memory_space<vmem>>, vector<16xf32>,
      %swap3A_125 = arith.constant 208 : index
      %swap3A_126 = tpu.vector_load %arg14[%swap3A_125] {strides = array<i32>} : memref<256xf32, #tpu.memory_space<vmem>>, vector<16xf32>,
      tpu.vector_store %arg14[%swap3A_125], %broadcast_in_dim3A_12 {strides = array<i32>} : memref<256xf32, #tpu.memory_space<vmem>>, vector<16xf32>,
      %swap3A_127 = arith.constant 224 : index
      %swap3A_128 = tpu.vector_load %arg14[%swap3A_127] {strides = array<i32>} : memref<256xf32, #tpu.memory_space<vmem>>, vector<16xf32>,
      tpu.vector_store %arg14[%swap3A_127], %broadcast_in_dim3A_12 {strides = array<i32>} : memref<256xf32, #tpu.memory_space<vmem>>, vector<16xf32>,
      %swap3A_129 = arith.constant 240 : index
      %swap3A_130 = tpu.vector_load %arg14[%swap3A_129] {strides = array<i32>} : memref<256xf32, #tpu.memory_space<vmem>>, vector<16xf32>,
      tpu.vector_store %arg14[%swap3A_129], %broadcast_in_dim3A_12 {strides = array<i32>} : memref<256xf32, #tpu.memory_space<vmem>>, vector<16xf32>,
      %scan3A_131 = arith.constant 0 : i32
      %scan3A_132 = arith.constant 0 : i32
      %scan3A_133 = arith.constant 5 : i32
      %scan3A_134 = arith.addi %scan3A_132, %scan3A_133 : i32
      %scan3A_135 = arith.constant 1 : i32
      scf.for %scan3A_271 = %scan3A_132 to %scan3A_134 step %scan3A_135  : i32 {
        %mul3A_272 = arith.constant 256 : i32
        %mul3A_273 = arith.muli %scan3A_271, %mul3A_272 : i32
        %mul3A_274 = arith.constant 16 : i32
        %mul3A_275 = vector.broadcast %mul3A_274 : i32 to vector<16xi32>
        %mul3A_276 = arith.muli %iota3A, %mul3A_275 : vector<16xi32>
        %add3A_277 = vector.broadcast %mul3A_273 : i32 to vector<16xi32>
        %add3A_278 = arith.addi %add3A_277, %mul3A_276 : vector<16xi32>
        %add3A_279 = arith.constant 0 : i32
        %add3A_280 = vector.broadcast %add3A_279 : i32 to vector<16xi32>
        %add3A_281 = arith.addi %add3A_278, %add3A_280 : vector<16xi32>
        %gather3A_282 = tpu.vector_load_idx %arg13[%add3A_281] : memref<1280xf32, #tpu.memory_space<vmem>>[vector<16xi32>], vector<16xf32>,
        %max3A_283 = arith.maximumf %broadcast_in_dim3A_12, %gather3A_282 : vector<16xf32>
        %mul3A_284 = arith.constant 256 : i32
        %mul3A_285 = arith.muli %scan3A_271, %mul3A_284 : i32
        %mul3A_286 = arith.constant 16 : i32
        %mul3A_287 = vector.broadcast %mul3A_286 : i32 to vector<16xi32>
        %mul3A_288 = arith.muli %iota3A, %mul3A_287 : vector<16xi32>
        %add3A_289 = vector.broadcast %mul3A_285 : i32 to vector<16xi32>
        %add3A_290 = arith.addi %add3A_289, %mul3A_288 : vector<16xi32>
        %add3A_291 = arith.constant 1 : i32
        %add3A_292 = vector.broadcast %add3A_291 : i32 to vector<16xi32>
        %add3A_293 = arith.addi %add3A_290, %add3A_292 : vector<16xi32>
        %gather3A_294 = tpu.vector_load_idx %arg13[%add3A_293] : memref<1280xf32, #tpu.memory_space<vmem>>[vector<16xi32>], vector<16xf32>,
        %max3A_295 = arith.maximumf %max3A_283, %gather3A_294 : vector<16xf32>
        %mul3A_296 = arith.constant 256 : i32
        %mul3A_297 = arith.muli %scan3A_271, %mul3A_296 : i32
        %mul3A_298 = arith.constant 16 : i32
        %mul3A_299 = vector.broadcast %mul3A_298 : i32 to vector<16xi32>
        %mul3A_300 = arith.muli %iota3A, %mul3A_299 : vector<16xi32>
        %add3A_301 = vector.broadcast %mul3A_297 : i32 to vector<16xi32>
        %add3A_302 = arith.addi %add3A_301, %mul3A_300 : vector<16xi32>
        %add3A_303 = arith.constant 2 : i32
        %add3A_304 = vector.broadcast %add3A_303 : i32 to vector<16xi32>
        %add3A_305 = arith.addi %add3A_302, %add3A_304 : vector<16xi32>
        %gather3A_306 = tpu.vector_load_idx %arg13[%add3A_305] : memref<1280xf32, #tpu.memory_space<vmem>>[vector<16xi32>], vector<16xf32>,
        %max3A_307 = arith.maximumf %max3A_295, %gather3A_306 : vector<16xf32>
        %mul3A_308 = arith.constant 256 : i32
        %mul3A_309 = arith.muli %scan3A_271, %mul3A_308 : i32
        %mul3A_310 = arith.constant 16 : i32
        %mul3A_311 = vector.broadcast %mul3A_310 : i32 to vector<16xi32>
        %mul3A_312 = arith.muli %iota3A, %mul3A_311 : vector<16xi32>
        %add3A_313 = vector.broadcast %mul3A_309 : i32 to vector<16xi32>
        %add3A_314 = arith.addi %add3A_313, %mul3A_312 : vector<16xi32>
        %add3A_315 = arith.constant 3 : i32
        %add3A_316 = vector.broadcast %add3A_315 : i32 to vector<16xi32>
        %add3A_317 = arith.addi %add3A_314, %add3A_316 : vector<16xi32>
        %gather3A_318 = tpu.vector_load_idx %arg13[%add3A_317] : memref<1280xf32, #tpu.memory_space<vmem>>[vector<16xi32>], vector<16xf32>,
        %max3A_319 = arith.maximumf %max3A_307, %gather3A_318 : vector<16xf32>
        %mul3A_320 = arith.constant 256 : i32
        %mul3A_321 = arith.muli %scan3A_271, %mul3A_320 : i32
        %mul3A_322 = arith.constant 16 : i32
        %mul3A_323 = vector.broadcast %mul3A_322 : i32 to vector<16xi32>
        %mul3A_324 = arith.muli %iota3A, %mul3A_323 : vector<16xi32>
        %add3A_325 = vector.broadcast %mul3A_321 : i32 to vector<16xi32>
        %add3A_326 = arith.addi %add3A_325, %mul3A_324 : vector<16xi32>
        %add3A_327 = arith.constant 4 : i32
        %add3A_328 = vector.broadcast %add3A_327 : i32 to vector<16xi32>
        %add3A_329 = arith.addi %add3A_326, %add3A_328 : vector<16xi32>
        %gather3A_330 = tpu.vector_load_idx %arg13[%add3A_329] : memref<1280xf32, #tpu.memory_space<vmem>>[vector<16xi32>], vector<16xf32>,
        %max3A_331 = arith.maximumf %max3A_319, %gather3A_330 : vector<16xf32>
        %mul3A_332 = arith.constant 256 : i32
        %mul3A_333 = arith.muli %scan3A_271, %mul3A_332 : i32
        %mul3A_334 = arith.constant 16 : i32
        %mul3A_335 = vector.broadcast %mul3A_334 : i32 to vector<16xi32>
        %mul3A_336 = arith.muli %iota3A, %mul3A_335 : vector<16xi32>
        %add3A_337 = vector.broadcast %mul3A_333 : i32 to vector<16xi32>
        %add3A_338 = arith.addi %add3A_337, %mul3A_336 : vector<16xi32>
        %add3A_339 = arith.constant 5 : i32
        %add3A_340 = vector.broadcast %add3A_339 : i32 to vector<16xi32>
        %add3A_341 = arith.addi %add3A_338, %add3A_340 : vector<16xi32>
        %gather3A_342 = tpu.vector_load_idx %arg13[%add3A_341] : memref<1280xf32, #tpu.memory_space<vmem>>[vector<16xi32>], vector<16xf32>,
        %max3A_343 = arith.maximumf %max3A_331, %gather3A_342 : vector<16xf32>
        %mul3A_344 = arith.constant 256 : i32
        %mul3A_345 = arith.muli %scan3A_271, %mul3A_344 : i32
        %mul3A_346 = arith.constant 16 : i32
        %mul3A_347 = vector.broadcast %mul3A_346 : i32 to vector<16xi32>
        %mul3A_348 = arith.muli %iota3A, %mul3A_347 : vector<16xi32>
        %add3A_349 = vector.broadcast %mul3A_345 : i32 to vector<16xi32>
        %add3A_350 = arith.addi %add3A_349, %mul3A_348 : vector<16xi32>
        %add3A_351 = arith.constant 6 : i32
        %add3A_352 = vector.broadcast %add3A_351 : i32 to vector<16xi32>
        %add3A_353 = arith.addi %add3A_350, %add3A_352 : vector<16xi32>
        %gather3A_354 = tpu.vector_load_idx %arg13[%add3A_353] : memref<1280xf32, #tpu.memory_space<vmem>>[vector<16xi32>], vector<16xf32>,
        %max3A_355 = arith.maximumf %max3A_343, %gather3A_354 : vector<16xf32>
        %mul3A_356 = arith.constant 256 : i32
        %mul3A_357 = arith.muli %scan3A_271, %mul3A_356 : i32
        %mul3A_358 = arith.constant 16 : i32
        %mul3A_359 = vector.broadcast %mul3A_358 : i32 to vector<16xi32>
        %mul3A_360 = arith.muli %iota3A, %mul3A_359 : vector<16xi32>
        %add3A_361 = vector.broadcast %mul3A_357 : i32 to vector<16xi32>
        %add3A_362 = arith.addi %add3A_361, %mul3A_360 : vector<16xi32>
        %add3A_363 = arith.constant 7 : i32
        %add3A_364 = vector.broadcast %add3A_363 : i32 to vector<16xi32>
        %add3A_365 = arith.addi %add3A_362, %add3A_364 : vector<16xi32>
        %gather3A_366 = tpu.vector_load_idx %arg13[%add3A_365] : memref<1280xf32, #tpu.memory_space<vmem>>[vector<16xi32>], vector<16xf32>,
        %max3A_367 = arith.maximumf %max3A_355, %gather3A_366 : vector<16xf32>
        %mul3A_368 = arith.constant 256 : i32
        %mul3A_369 = arith.muli %scan3A_271, %mul3A_368 : i32
        %mul3A_370 = arith.constant 16 : i32
        %mul3A_371 = vector.broadcast %mul3A_370 : i32 to vector<16xi32>
        %mul3A_372 = arith.muli %iota3A, %mul3A_371 : vector<16xi32>
        %add3A_373 = vector.broadcast %mul3A_369 : i32 to vector<16xi32>
        %add3A_374 = arith.addi %add3A_373, %mul3A_372 : vector<16xi32>
        %add3A_375 = arith.constant 8 : i32
        %add3A_376 = vector.broadcast %add3A_375 : i32 to vector<16xi32>
        %add3A_377 = arith.addi %add3A_374, %add3A_376 : vector<16xi32>
        %gather3A_378 = tpu.vector_load_idx %arg13[%add3A_377] : memref<1280xf32, #tpu.memory_space<vmem>>[vector<16xi32>], vector<16xf32>,
        %max3A_379 = arith.maximumf %max3A_367, %gather3A_378 : vector<16xf32>
        %mul3A_380 = arith.constant 256 : i32
        %mul3A_381 = arith.muli %scan3A_271, %mul3A_380 : i32
        %mul3A_382 = arith.constant 16 : i32
        %mul3A_383 = vector.broadcast %mul3A_382 : i32 to vector<16xi32>
        %mul3A_384 = arith.muli %iota3A, %mul3A_383 : vector<16xi32>
        %add3A_385 = vector.broadcast %mul3A_381 : i32 to vector<16xi32>
        %add3A_386 = arith.addi %add3A_385, %mul3A_384 : vector<16xi32>
        %add3A_387 = arith.constant 9 : i32
        %add3A_388 = vector.broadcast %add3A_387 : i32 to vector<16xi32>
        %add3A_389 = arith.addi %add3A_386, %add3A_388 : vector<16xi32>
        %gather3A_390 = tpu.vector_load_idx %arg13[%add3A_389] : memref<1280xf32, #tpu.memory_space<vmem>>[vector<16xi32>], vector<16xf32>,
        %max3A_391 = arith.maximumf %max3A_379, %gather3A_390 : vector<16xf32>
        %mul3A_392 = arith.constant 256 : i32
        %mul3A_393 = arith.muli %scan3A_271, %mul3A_392 : i32
        %mul3A_394 = arith.constant 16 : i32
        %mul3A_395 = vector.broadcast %mul3A_394 : i32 to vector<16xi32>
        %mul3A_396 = arith.muli %iota3A, %mul3A_395 : vector<16xi32>
        %add3A_397 = vector.broadcast %mul3A_393 : i32 to vector<16xi32>
        %add3A_398 = arith.addi %add3A_397, %mul3A_396 : vector<16xi32>
        %add3A_399 = arith.constant 10 : i32
        %add3A_400 = vector.broadcast %add3A_399 : i32 to vector<16xi32>
        %add3A_401 = arith.addi %add3A_398, %add3A_400 : vector<16xi32>
        %gather3A_402 = tpu.vector_load_idx %arg13[%add3A_401] : memref<1280xf32, #tpu.memory_space<vmem>>[vector<16xi32>], vector<16xf32>,
        %max3A_403 = arith.maximumf %max3A_391, %gather3A_402 : vector<16xf32>
        %mul3A_404 = arith.constant 256 : i32
        %mul3A_405 = arith.muli %scan3A_271, %mul3A_404 : i32
        %mul3A_406 = arith.constant 16 : i32
        %mul3A_407 = vector.broadcast %mul3A_406 : i32 to vector<16xi32>
        %mul3A_408 = arith.muli %iota3A, %mul3A_407 : vector<16xi32>
        %add3A_409 = vector.broadcast %mul3A_405 : i32 to vector<16xi32>
        %add3A_410 = arith.addi %add3A_409, %mul3A_408 : vector<16xi32>
        %add3A_411 = arith.constant 11 : i32
        %add3A_412 = vector.broadcast %add3A_411 : i32 to vector<16xi32>
        %add3A_413 = arith.addi %add3A_410, %add3A_412 : vector<16xi32>
        %gather3A_414 = tpu.vector_load_idx %arg13[%add3A_413] : memref<1280xf32, #tpu.memory_space<vmem>>[vector<16xi32>], vector<16xf32>,
        %max3A_415 = arith.maximumf %max3A_403, %gather3A_414 : vector<16xf32>
        %mul3A_416 = arith.constant 256 : i32
        %mul3A_417 = arith.muli %scan3A_271, %mul3A_416 : i32
        %mul3A_418 = arith.constant 16 : i32
        %mul3A_419 = vector.broadcast %mul3A_418 : i32 to vector<16xi32>
        %mul3A_420 = arith.muli %iota3A, %mul3A_419 : vector<16xi32>
        %add3A_421 = vector.broadcast %mul3A_417 : i32 to vector<16xi32>
        %add3A_422 = arith.addi %add3A_421, %mul3A_420 : vector<16xi32>
        %add3A_423 = arith.constant 12 : i32
        %add3A_424 = vector.broadcast %add3A_423 : i32 to vector<16xi32>
        %add3A_425 = arith.addi %add3A_422, %add3A_424 : vector<16xi32>
        %gather3A_426 = tpu.vector_load_idx %arg13[%add3A_425] : memref<1280xf32, #tpu.memory_space<vmem>>[vector<16xi32>], vector<16xf32>,
        %max3A_427 = arith.maximumf %max3A_415, %gather3A_426 : vector<16xf32>
        %mul3A_428 = arith.constant 256 : i32
        %mul3A_429 = arith.muli %scan3A_271, %mul3A_428 : i32
        %mul3A_430 = arith.constant 16 : i32
        %mul3A_431 = vector.broadcast %mul3A_430 : i32 to vector<16xi32>
        %mul3A_432 = arith.muli %iota3A, %mul3A_431 : vector<16xi32>
        %add3A_433 = vector.broadcast %mul3A_429 : i32 to vector<16xi32>
        %add3A_434 = arith.addi %add3A_433, %mul3A_432 : vector<16xi32>
        %add3A_435 = arith.constant 13 : i32
        %add3A_436 = vector.broadcast %add3A_435 : i32 to vector<16xi32>
        %add3A_437 = arith.addi %add3A_434, %add3A_436 : vector<16xi32>
        %gather3A_438 = tpu.vector_load_idx %arg13[%add3A_437] : memref<1280xf32, #tpu.memory_space<vmem>>[vector<16xi32>], vector<16xf32>,
        %max3A_439 = arith.maximumf %max3A_427, %gather3A_438 : vector<16xf32>
        %mul3A_440 = arith.constant 256 : i32
        %mul3A_441 = arith.muli %scan3A_271, %mul3A_440 : i32
        %mul3A_442 = arith.constant 16 : i32
        %mul3A_443 = vector.broadcast %mul3A_442 : i32 to vector<16xi32>
        %mul3A_444 = arith.muli %iota3A, %mul3A_443 : vector<16xi32>
        %add3A_445 = vector.broadcast %mul3A_441 : i32 to vector<16xi32>
        %add3A_446 = arith.addi %add3A_445, %mul3A_444 : vector<16xi32>
        %add3A_447 = arith.constant 14 : i32
        %add3A_448 = vector.broadcast %add3A_447 : i32 to vector<16xi32>
        %add3A_449 = arith.addi %add3A_446, %add3A_448 : vector<16xi32>
        %gather3A_450 = tpu.vector_load_idx %arg13[%add3A_449] : memref<1280xf32, #tpu.memory_space<vmem>>[vector<16xi32>], vector<16xf32>,
        %max3A_451 = arith.maximumf %max3A_439, %gather3A_450 : vector<16xf32>
        %mul3A_452 = arith.constant 256 : i32
        %mul3A_453 = arith.muli %scan3A_271, %mul3A_452 : i32
        %mul3A_454 = arith.constant 16 : i32
        %mul3A_455 = vector.broadcast %mul3A_454 : i32 to vector<16xi32>
        %mul3A_456 = arith.muli %iota3A, %mul3A_455 : vector<16xi32>
        %add3A_457 = vector.broadcast %mul3A_453 : i32 to vector<16xi32>
        %add3A_458 = arith.addi %add3A_457, %mul3A_456 : vector<16xi32>
        %add3A_459 = arith.constant 15 : i32
        %add3A_460 = vector.broadcast %add3A_459 : i32 to vector<16xi32>
        %add3A_461 = arith.addi %add3A_458, %add3A_460 : vector<16xi32>
        %gather3A_462 = tpu.vector_load_idx %arg13[%add3A_461] : memref<1280xf32, #tpu.memory_space<vmem>>[vector<16xi32>], vector<16xf32>,
        %max3A_463 = arith.maximumf %max3A_451, %gather3A_462 : vector<16xf32>
        %mul3A_464 = arith.constant 16 : i32
        %mul3A_465 = arith.muli %scan3A_271, %mul3A_464 : i32
        %add3A_466 = vector.broadcast %mul3A_465 : i32 to vector<16xi32>
        %add3A_467 = arith.addi %add3A_466, %iota3A : vector<16xi32>
        tpu.vector_store_idx %arg14[%add3A_467], %max3A_463 : memref<256xf32, #tpu.memory_space<vmem>>[vector<16xi32>], vector<16xf32>,
      }
      %scan3A_136 = arith.constant 5 : i32
      %mul3A = arith.constant 16 : i32
      %mul3A_137 = vector.broadcast %mul3A : i32 to vector<16xi32>
      %mul3A_138 = arith.muli %iota3A, %mul3A_137 : vector<16xi32>
      %add3A = arith.constant 0 : i32
      %add3A_139 = vector.broadcast %add3A : i32 to vector<16xi32>
      %add3A_140 = arith.addi %mul3A_138, %add3A_139 : vector<16xi32>
      %gather3A = tpu.vector_load_idx %arg14[%add3A_140] : memref<256xf32, #tpu.memory_space<vmem>>[vector<16xi32>], vector<16xf32>,
      %max3A = arith.maximumf %broadcast_in_dim3A_12, %gather3A : vector<16xf32>
      %mul3A_141 = arith.constant 16 : i32
      %mul3A_142 = vector.broadcast %mul3A_141 : i32 to vector<16xi32>
      %mul3A_143 = arith.muli %iota3A, %mul3A_142 : vector<16xi32>
      %add3A_144 = arith.constant 1 : i32
      %add3A_145 = vector.broadcast %add3A_144 : i32 to vector<16xi32>
      %add3A_146 = arith.addi %mul3A_143, %add3A_145 : vector<16xi32>
      %gather3A_147 = tpu.vector_load_idx %arg14[%add3A_146] : memref<256xf32, #tpu.memory_space<vmem>>[vector<16xi32>], vector<16xf32>,
      %max3A_148 = arith.maximumf %max3A, %gather3A_147 : vector<16xf32>
      %mul3A_149 = arith.constant 16 : i32
      %mul3A_150 = vector.broadcast %mul3A_149 : i32 to vector<16xi32>
      %mul3A_151 = arith.muli %iota3A, %mul3A_150 : vector<16xi32>
      %add3A_152 = arith.constant 2 : i32
      %add3A_153 = vector.broadcast %add3A_152 : i32 to vector<16xi32>
      %add3A_154 = arith.addi %mul3A_151, %add3A_153 : vector<16xi32>
      %gather3A_155 = tpu.vector_load_idx %arg14[%add3A_154] : memref<256xf32, #tpu.memory_space<vmem>>[vector<16xi32>], vector<16xf32>,
      %max3A_156 = arith.maximumf %max3A_148, %gather3A_155 : vector<16xf32>
      %mul3A_157 = arith.constant 16 : i32
      %mul3A_158 = vector.broadcast %mul3A_157 : i32 to vector<16xi32>
      %mul3A_159 = arith.muli %iota3A, %mul3A_158 : vector<16xi32>
      %add3A_160 = arith.constant 3 : i32
      %add3A_161 = vector.broadcast %add3A_160 : i32 to vector<16xi32>
      %add3A_162 = arith.addi %mul3A_159, %add3A_161 : vector<16xi32>
      %gather3A_163 = tpu.vector_load_idx %arg14[%add3A_162] : memref<256xf32, #tpu.memory_space<vmem>>[vector<16xi32>], vector<16xf32>,
      %max3A_164 = arith.maximumf %max3A_156, %gather3A_163 : vector<16xf32>
      %mul3A_165 = arith.constant 16 : i32
      %mul3A_166 = vector.broadcast %mul3A_165 : i32 to vector<16xi32>
      %mul3A_167 = arith.muli %iota3A, %mul3A_166 : vector<16xi32>
      %add3A_168 = arith.constant 4 : i32
      %add3A_169 = vector.broadcast %add3A_168 : i32 to vector<16xi32>
      %add3A_170 = arith.addi %mul3A_167, %add3A_169 : vector<16xi32>
      %gather3A_171 = tpu.vector_load_idx %arg14[%add3A_170] : memref<256xf32, #tpu.memory_space<vmem>>[vector<16xi32>], vector<16xf32>,
      %max3A_172 = arith.maximumf %max3A_164, %gather3A_171 : vector<16xf32>
      %mul3A_173 = arith.constant 16 : i32
      %mul3A_174 = vector.broadcast %mul3A_173 : i32 to vector<16xi32>
      %mul3A_175 = arith.muli %iota3A, %mul3A_174 : vector<16xi32>
      %add3A_176 = arith.constant 5 : i32
      %add3A_177 = vector.broadcast %add3A_176 : i32 to vector<16xi32>
      %add3A_178 = arith.addi %mul3A_175, %add3A_177 : vector<16xi32>
      %gather3A_179 = tpu.vector_load_idx %arg14[%add3A_178] : memref<256xf32, #tpu.memory_space<vmem>>[vector<16xi32>], vector<16xf32>,
      %max3A_180 = arith.maximumf %max3A_172, %gather3A_179 : vector<16xf32>
      %mul3A_181 = arith.constant 16 : i32
      %mul3A_182 = vector.broadcast %mul3A_181 : i32 to vector<16xi32>
      %mul3A_183 = arith.muli %iota3A, %mul3A_182 : vector<16xi32>
      %add3A_184 = arith.constant 6 : i32
      %add3A_185 = vector.broadcast %add3A_184 : i32 to vector<16xi32>
      %add3A_186 = arith.addi %mul3A_183, %add3A_185 : vector<16xi32>
      %gather3A_187 = tpu.vector_load_idx %arg14[%add3A_186] : memref<256xf32, #tpu.memory_space<vmem>>[vector<16xi32>], vector<16xf32>,
      %max3A_188 = arith.maximumf %max3A_180, %gather3A_187 : vector<16xf32>
      %mul3A_189 = arith.constant 16 : i32
      %mul3A_190 = vector.broadcast %mul3A_189 : i32 to vector<16xi32>
      %mul3A_191 = arith.muli %iota3A, %mul3A_190 : vector<16xi32>
      %add3A_192 = arith.constant 7 : i32
      %add3A_193 = vector.broadcast %add3A_192 : i32 to vector<16xi32>
      %add3A_194 = arith.addi %mul3A_191, %add3A_193 : vector<16xi32>
      %gather3A_195 = tpu.vector_load_idx %arg14[%add3A_194] : memref<256xf32, #tpu.memory_space<vmem>>[vector<16xi32>], vector<16xf32>,
      %max3A_196 = arith.maximumf %max3A_188, %gather3A_195 : vector<16xf32>
      %mul3A_197 = arith.constant 16 : i32
      %mul3A_198 = vector.broadcast %mul3A_197 : i32 to vector<16xi32>
      %mul3A_199 = arith.muli %iota3A, %mul3A_198 : vector<16xi32>
      %add3A_200 = arith.constant 8 : i32
      %add3A_201 = vector.broadcast %add3A_200 : i32 to vector<16xi32>
      %add3A_202 = arith.addi %mul3A_199, %add3A_201 : vector<16xi32>
      %gather3A_203 = tpu.vector_load_idx %arg14[%add3A_202] : memref<256xf32, #tpu.memory_space<vmem>>[vector<16xi32>], vector<16xf32>,
      %max3A_204 = arith.maximumf %max3A_196, %gather3A_203 : vector<16xf32>
      %mul3A_205 = arith.constant 16 : i32
      %mul3A_206 = vector.broadcast %mul3A_205 : i32 to vector<16xi32>
      %mul3A_207 = arith.muli %iota3A, %mul3A_206 : vector<16xi32>
      %add3A_208 = arith.constant 9 : i32
      %add3A_209 = vector.broadcast %add3A_208 : i32 to vector<16xi32>
      %add3A_210 = arith.addi %mul3A_207, %add3A_209 : vector<16xi32>
      %gather3A_211 = tpu.vector_load_idx %arg14[%add3A_210] : memref<256xf32, #tpu.memory_space<vmem>>[vector<16xi32>], vector<16xf32>,
      %max3A_212 = arith.maximumf %max3A_204, %gather3A_211 : vector<16xf32>
      %mul3A_213 = arith.constant 16 : i32
      %mul3A_214 = vector.broadcast %mul3A_213 : i32 to vector<16xi32>
      %mul3A_215 = arith.muli %iota3A, %mul3A_214 : vector<16xi32>
      %add3A_216 = arith.constant 10 : i32
      %add3A_217 = vector.broadcast %add3A_216 : i32 to vector<16xi32>
      %add3A_218 = arith.addi %mul3A_215, %add3A_217 : vector<16xi32>
      %gather3A_219 = tpu.vector_load_idx %arg14[%add3A_218] : memref<256xf32, #tpu.memory_space<vmem>>[vector<16xi32>], vector<16xf32>,
      %max3A_220 = arith.maximumf %max3A_212, %gather3A_219 : vector<16xf32>
      %mul3A_221 = arith.constant 16 : i32
      %mul3A_222 = vector.broadcast %mul3A_221 : i32 to vector<16xi32>
      %mul3A_223 = arith.muli %iota3A, %mul3A_222 : vector<16xi32>
      %add3A_224 = arith.constant 11 : i32
      %add3A_225 = vector.broadcast %add3A_224 : i32 to vector<16xi32>
      %add3A_226 = arith.addi %mul3A_223, %add3A_225 : vector<16xi32>
      %gather3A_227 = tpu.vector_load_idx %arg14[%add3A_226] : memref<256xf32, #tpu.memory_space<vmem>>[vector<16xi32>], vector<16xf32>,
      %max3A_228 = arith.maximumf %max3A_220, %gather3A_227 : vector<16xf32>
      %mul3A_229 = arith.constant 16 : i32
      %mul3A_230 = vector.broadcast %mul3A_229 : i32 to vector<16xi32>
      %mul3A_231 = arith.muli %iota3A, %mul3A_230 : vector<16xi32>
      %add3A_232 = arith.constant 12 : i32
      %add3A_233 = vector.broadcast %add3A_232 : i32 to vector<16xi32>
      %add3A_234 = arith.addi %mul3A_231, %add3A_233 : vector<16xi32>
      %gather3A_235 = tpu.vector_load_idx %arg14[%add3A_234] : memref<256xf32, #tpu.memory_space<vmem>>[vector<16xi32>], vector<16xf32>,
      %max3A_236 = arith.maximumf %max3A_228, %gather3A_235 : vector<16xf32>
      %mul3A_237 = arith.constant 16 : i32
      %mul3A_238 = vector.broadcast %mul3A_237 : i32 to vector<16xi32>
      %mul3A_239 = arith.muli %iota3A, %mul3A_238 : vector<16xi32>
      %add3A_240 = arith.constant 13 : i32
      %add3A_241 = vector.broadcast %add3A_240 : i32 to vector<16xi32>
      %add3A_242 = arith.addi %mul3A_239, %add3A_241 : vector<16xi32>
      %gather3A_243 = tpu.vector_load_idx %arg14[%add3A_242] : memref<256xf32, #tpu.memory_space<vmem>>[vector<16xi32>], vector<16xf32>,
      %max3A_244 = arith.maximumf %max3A_236, %gather3A_243 : vector<16xf32>
      %mul3A_245 = arith.constant 16 : i32
      %mul3A_246 = vector.broadcast %mul3A_245 : i32 to vector<16xi32>
      %mul3A_247 = arith.muli %iota3A, %mul3A_246 : vector<16xi32>
      %add3A_248 = arith.constant 14 : i32
      %add3A_249 = vector.broadcast %add3A_248 : i32 to vector<16xi32>
      %add3A_250 = arith.addi %mul3A_247, %add3A_249 : vector<16xi32>
      %gather3A_251 = tpu.vector_load_idx %arg14[%add3A_250] : memref<256xf32, #tpu.memory_space<vmem>>[vector<16xi32>], vector<16xf32>,
      %max3A_252 = arith.maximumf %max3A_244, %gather3A_251 : vector<16xf32>
      %mul3A_253 = arith.constant 16 : i32
      %mul3A_254 = vector.broadcast %mul3A_253 : i32 to vector<16xi32>
      %mul3A_255 = arith.muli %iota3A, %mul3A_254 : vector<16xi32>
      %add3A_256 = arith.constant 15 : i32
      %add3A_257 = vector.broadcast %add3A_256 : i32 to vector<16xi32>
      %add3A_258 = arith.addi %mul3A_255, %add3A_257 : vector<16xi32>
      %gather3A_259 = tpu.vector_load_idx %arg14[%add3A_258] : memref<256xf32, #tpu.memory_space<vmem>>[vector<16xi32>], vector<16xf32>,
      %max3A_260 = arith.maximumf %max3A_252, %gather3A_259 : vector<16xf32>
      %reduce_max3A = arith.constant true
      %reduce_max3A_261 = vector.broadcast %reduce_max3A : i1 to vector<16xi1>
      %reduce_max3A_262 = tpu.scan <max>, %max3A_260 masked %reduce_max3A_261 : vector<16xf32>, vector<16xi1> -> vector<16xf32>
      %reduce_max3A_263 = vector.extract %reduce_max3A_262[15] : f32 from vector<16xf32>
      tpu.wait_dma2 semaphore(%arg22 : memref<!tpu.dma_semaphore, #tpu.memory_space<semaphore_mem>>) src(%arg2 : memref<20480xf32, #tpu.memory_space<hbm>>) dst(%arg8 : memref<20480xf32, #tpu.memory_space<vmem>>)
      tpu.wait_dma2 semaphore(%arg23 : memref<!tpu.dma_semaphore, #tpu.memory_space<semaphore_mem>>) src(%arg3 : memref<20480xf32, #tpu.memory_space<hbm>>) dst(%arg9 : memref<20480xf32, #tpu.memory_space<vmem>>)
      tpu.wait_dma2 semaphore(%arg24 : memref<!tpu.dma_semaphore, #tpu.memory_space<semaphore_mem>>) src(%arg4 : memref<20480xf32, #tpu.memory_space<hbm>>) dst(%arg10 : memref<20480xf32, #tpu.memory_space<vmem>>)
      tpu.wait_dma2 semaphore(%arg25 : memref<!tpu.dma_semaphore, #tpu.memory_space<semaphore_mem>>) src(%arg5 : memref<20480xf32, #tpu.memory_space<hbm>>) dst(%arg11 : memref<20480xf32, #tpu.memory_space<vmem>>)
      %while3A = arith.constant 0xFF800000 : f32
      %while3A_264 = arith.constant 0 : i32
      %while3A_265:3 = scf.while (%while3A_271 = %while3A_264, %while3A_272 = %reduce_max3A_263, %while3A_273 = %max3A_260) : (i32, f32, vector<16xf32>) -> (i32, f32, vector<16xf32>) {
        %lt3A_274 = arith.constant 100 : i32
        %lt3A_275 = arith.cmpi slt, %while3A_271, %lt3A_274 : i32
        %gt3A = arith.cmpf ogt, %while3A_272, %while3A : f32
        %and3A_276 = arith.andi %lt3A_275, %gt3A : i1
        scf.condition(%and3A_276) %while3A_271, %while3A_272, %while3A_273 : i32, f32, vector<16xf32>
      } do {
      ^bb0(%while3A_271: i32, %while3A_272: f32, %while3A_273: vector<16xf32>):
        %broadcast_in_dim3A_274 = vector.broadcast %while3A_272 : f32 to vector<16xf32>
        %eq3A_275 = arith.cmpf oeq, %while3A_273, %broadcast_in_dim3A_274 : vector<16xf32>
        %all_reduce_ffs3A = tpu.all_reduce %eq3A_275 {dim = 0 : i64, kind = #tpu.reduction_kind<find_first_set>} : vector<16xi1> -> vector<16xi32>
        %mul3A_276 = arith.constant 16 : i32
        %mul3A_277 = vector.broadcast %mul3A_276 : i32 to vector<16xi32>
        %mul3A_278 = arith.muli %all_reduce_ffs3A, %mul3A_277 : vector<16xi32>
        %add3A_279 = arith.addi %mul3A_278, %iota3A : vector<16xi32>
        %gather3A_280 = tpu.vector_load_idx %arg14[%add3A_279] : memref<256xf32, #tpu.memory_space<vmem>>[vector<16xi32>], vector<16xf32>,
        %mul3A_281 = arith.constant 16 : i32
        %mul3A_282 = vector.broadcast %mul3A_281 : i32 to vector<16xi32>
        %mul3A_283 = arith.muli %all_reduce_ffs3A, %mul3A_282 : vector<16xi32>
        %eq3A_284 = arith.cmpf oeq, %gather3A_280, %broadcast_in_dim3A_274 : vector<16xf32>
        %all_reduce_ffs3A_285 = tpu.all_reduce %eq3A_284 {dim = 0 : i64, kind = #tpu.reduction_kind<find_first_set>} : vector<16xi1> -> vector<16xi32>
        %add3A_286 = arith.addi %mul3A_283, %all_reduce_ffs3A_285 : vector<16xi32>
        %mul3A_287 = arith.constant 16 : i32
        %mul3A_288 = vector.broadcast %mul3A_287 : i32 to vector<16xi32>
        %mul3A_289 = arith.muli %add3A_286, %mul3A_288 : vector<16xi32>
        %add3A_290 = arith.addi %mul3A_289, %iota3A : vector<16xi32>
        %gather3A_291 = tpu.vector_load_idx %arg13[%add3A_290] : memref<1280xf32, #tpu.memory_space<vmem>>[vector<16xi32>], vector<16xf32>,
        %mul3A_292 = arith.constant 16 : i32
        %mul3A_293 = vector.broadcast %mul3A_292 : i32 to vector<16xi32>
        %mul3A_294 = arith.muli %add3A_286, %mul3A_293 : vector<16xi32>
        %eq3A_295 = arith.cmpf oeq, %gather3A_291, %broadcast_in_dim3A_274 : vector<16xf32>
        %all_reduce_ffs3A_296 = tpu.all_reduce %eq3A_295 {dim = 0 : i64, kind = #tpu.reduction_kind<find_first_set>} : vector<16xi1> -> vector<16xi32>
        %add3A_297 = arith.addi %mul3A_294, %all_reduce_ffs3A_296 : vector<16xi32>
        %mul3A_298 = arith.constant 16 : i32
        %mul3A_299 = vector.broadcast %mul3A_298 : i32 to vector<16xi32>
        %mul3A_300 = arith.muli %add3A_297, %mul3A_299 : vector<16xi32>
        %add3A_301 = arith.addi %mul3A_300, %iota3A : vector<16xi32>
        %gather3A_302 = tpu.vector_load_idx %arg12[%add3A_301] : memref<20480xf32, #tpu.memory_space<vmem>>[vector<16xi32>], vector<16xf32>,
        %mul3A_303 = arith.constant 16 : i32
        %mul3A_304 = vector.broadcast %mul3A_303 : i32 to vector<16xi32>
        %mul3A_305 = arith.muli %add3A_297, %mul3A_304 : vector<16xi32>
        %eq3A_306 = arith.cmpf oeq, %gather3A_302, %broadcast_in_dim3A_274 : vector<16xf32>
        %all_reduce_ffs3A_307 = tpu.all_reduce %eq3A_306 {dim = 0 : i64, kind = #tpu.reduction_kind<find_first_set>} : vector<16xi1> -> vector<16xi32>
        %add3A_308 = arith.addi %mul3A_305, %all_reduce_ffs3A_307 : vector<16xi32>
        %gather3A_309 = tpu.vector_load_idx %arg8[%add3A_308] : memref<20480xf32, #tpu.memory_space<vmem>>[vector<16xi32>], vector<16xf32>,
        %gather3A_310 = tpu.vector_load_idx %arg9[%add3A_308] : memref<20480xf32, #tpu.memory_space<vmem>>[vector<16xi32>], vector<16xf32>,
        %gather3A_311 = tpu.vector_load_idx %arg10[%add3A_308] : memref<20480xf32, #tpu.memory_space<vmem>>[vector<16xi32>], vector<16xf32>,
        %gather3A_312 = tpu.vector_load_idx %arg11[%add3A_308] : memref<20480xf32, #tpu.memory_space<vmem>>[vector<16xi32>], vector<16xf32>,
        %sub3A = arith.subf %gather3A_311, %gather3A_309 : vector<16xf32>
        %sub3A_313 = arith.subf %gather3A_312, %gather3A_310 : vector<16xf32>
        %mul3A_314 = arith.mulf %sub3A, %sub3A_313 : vector<16xf32>
        %lt3A_315 = arith.constant 0 : i32
        %lt3A_316 = vector.broadcast %lt3A_315 : i32 to vector<16xi32>
        %lt3A_317 = arith.cmpi slt, %iota3A, %lt3A_316 : vector<16xi32>
        %get3A = arith.constant 0 : index
        %get3A_318 = tpu.vector_load %arg15[%get3A] {strides = array<i32>} : memref<128xf32, #tpu.memory_space<vmem>>, vector<16xf32>,
        %get3A_319 = arith.constant 0 : index
        %get3A_320 = tpu.vector_load %arg16[%get3A_319] {strides = array<i32>} : memref<128xf32, #tpu.memory_space<vmem>>, vector<16xf32>,
        %get3A_321 = arith.constant 0 : index
        %get3A_322 = tpu.vector_load %arg17[%get3A_321] {strides = array<i32>} : memref<128xf32, #tpu.memory_space<vmem>>, vector<16xf32>,
        %get3A_323 = arith.constant 0 : index
        %get3A_324 = tpu.vector_load %arg18[%get3A_323] {strides = array<i32>} : memref<128xf32, #tpu.memory_space<vmem>>, vector<16xf32>,
        %get3A_325 = arith.constant 0 : index
        %get3A_326 = tpu.vector_load %arg19[%get3A_325] {strides = array<i32>} : memref<128xf32, #tpu.memory_space<vmem>>, vector<16xf32>,
        %max3A_327 = arith.maximumf %get3A_318, %gather3A_309 : vector<16xf32>
        %max3A_328 = arith.maximumf %get3A_320, %gather3A_310 : vector<16xf32>
        %min3A = arith.minimumf %get3A_322, %gather3A_311 : vector<16xf32>
        %min3A_329 = arith.minimumf %get3A_324, %gather3A_312 : vector<16xf32>
        %sub3A_330 = arith.subf %min3A, %max3A_327 : vector<16xf32>
        %max3A_331 = arith.constant 0.000000e+00 : f32
        %max3A_332 = vector.broadcast %max3A_331 : f32 to vector<16xf32>
        %max3A_333 = arith.maximumf %sub3A_330, %max3A_332 : vector<16xf32>
        %sub3A_334 = arith.subf %min3A_329, %max3A_328 : vector<16xf32>
        %max3A_335 = arith.constant 0.000000e+00 : f32
        %max3A_336 = vector.broadcast %max3A_335 : f32 to vector<16xf32>
        %max3A_337 = arith.maximumf %sub3A_334, %max3A_336 : vector<16xf32>
        %mul3A_338 = arith.mulf %max3A_333, %max3A_337 : vector<16xf32>
        %add3A_339 = arith.addf %get3A_326, %mul3A_314 : vector<16xf32>
        %sub3A_340 = arith.subf %add3A_339, %mul3A_338 : vector<16xf32>
        %add3A_341 = arith.constant 9.99999971E-10 : f32
        %add3A_342 = vector.broadcast %add3A_341 : f32 to vector<16xf32>
        %add3A_343 = arith.addf %sub3A_340, %add3A_342 : vector<16xf32>
        %div3A = arith.divf %mul3A_338, %add3A_343 : vector<16xf32>
        %gt3A = arith.constant 5.000000e-01 : f32
        %gt3A_344 = vector.broadcast %gt3A : f32 to vector<16xf32>
        %gt3A_345 = arith.cmpf ogt, %div3A, %gt3A_344 : vector<16xf32>
        %or3A = arith.ori %lt3A_317, %gt3A_345 : vector<16xi1>
        %get3A_346 = arith.constant 16 : index
        %get3A_347 = tpu.vector_load %arg15[%get3A_346] {strides = array<i32>} : memref<128xf32, #tpu.memory_space<vmem>>, vector<16xf32>,
        %get3A_348 = arith.constant 16 : index
        %get3A_349 = tpu.vector_load %arg16[%get3A_348] {strides = array<i32>} : memref<128xf32, #tpu.memory_space<vmem>>, vector<16xf32>,
        %get3A_350 = arith.constant 16 : index
        %get3A_351 = tpu.vector_load %arg17[%get3A_350] {strides = array<i32>} : memref<128xf32, #tpu.memory_space<vmem>>, vector<16xf32>,
        %get3A_352 = arith.constant 16 : index
        %get3A_353 = tpu.vector_load %arg18[%get3A_352] {strides = array<i32>} : memref<128xf32, #tpu.memory_space<vmem>>, vector<16xf32>,
        %get3A_354 = arith.constant 16 : index
        %get3A_355 = tpu.vector_load %arg19[%get3A_354] {strides = array<i32>} : memref<128xf32, #tpu.memory_space<vmem>>, vector<16xf32>,
        %max3A_356 = arith.maximumf %get3A_347, %gather3A_309 : vector<16xf32>
        %max3A_357 = arith.maximumf %get3A_349, %gather3A_310 : vector<16xf32>
        %min3A_358 = arith.minimumf %get3A_351, %gather3A_311 : vector<16xf32>
        %min3A_359 = arith.minimumf %get3A_353, %gather3A_312 : vector<16xf32>
        %sub3A_360 = arith.subf %min3A_358, %max3A_356 : vector<16xf32>
        %max3A_361 = arith.constant 0.000000e+00 : f32
        %max3A_362 = vector.broadcast %max3A_361 : f32 to vector<16xf32>
        %max3A_363 = arith.maximumf %sub3A_360, %max3A_362 : vector<16xf32>
        %sub3A_364 = arith.subf %min3A_359, %max3A_357 : vector<16xf32>
        %max3A_365 = arith.constant 0.000000e+00 : f32
        %max3A_366 = vector.broadcast %max3A_365 : f32 to vector<16xf32>
        %max3A_367 = arith.maximumf %sub3A_364, %max3A_366 : vector<16xf32>
        %mul3A_368 = arith.mulf %max3A_363, %max3A_367 : vector<16xf32>
        %add3A_369 = arith.addf %get3A_355, %mul3A_314 : vector<16xf32>
        %sub3A_370 = arith.subf %add3A_369, %mul3A_368 : vector<16xf32>
        %add3A_371 = arith.constant 9.99999971E-10 : f32
        %add3A_372 = vector.broadcast %add3A_371 : f32 to vector<16xf32>
        %add3A_373 = arith.addf %sub3A_370, %add3A_372 : vector<16xf32>
        %div3A_374 = arith.divf %mul3A_368, %add3A_373 : vector<16xf32>
        %gt3A_375 = arith.constant 5.000000e-01 : f32
        %gt3A_376 = vector.broadcast %gt3A_375 : f32 to vector<16xf32>
        %gt3A_377 = arith.cmpf ogt, %div3A_374, %gt3A_376 : vector<16xf32>
        %or3A_378 = arith.ori %or3A, %gt3A_377 : vector<16xi1>
        %get3A_379 = arith.constant 32 : index
        %get3A_380 = tpu.vector_load %arg15[%get3A_379] {strides = array<i32>} : memref<128xf32, #tpu.memory_space<vmem>>, vector<16xf32>,
        %get3A_381 = arith.constant 32 : index
        %get3A_382 = tpu.vector_load %arg16[%get3A_381] {strides = array<i32>} : memref<128xf32, #tpu.memory_space<vmem>>, vector<16xf32>,
        %get3A_383 = arith.constant 32 : index
        %get3A_384 = tpu.vector_load %arg17[%get3A_383] {strides = array<i32>} : memref<128xf32, #tpu.memory_space<vmem>>, vector<16xf32>,
        %get3A_385 = arith.constant 32 : index
        %get3A_386 = tpu.vector_load %arg18[%get3A_385] {strides = array<i32>} : memref<128xf32, #tpu.memory_space<vmem>>, vector<16xf32>,
        %get3A_387 = arith.constant 32 : index
        %get3A_388 = tpu.vector_load %arg19[%get3A_387] {strides = array<i32>} : memref<128xf32, #tpu.memory_space<vmem>>, vector<16xf32>,
        %max3A_389 = arith.maximumf %get3A_380, %gather3A_309 : vector<16xf32>
        %max3A_390 = arith.maximumf %get3A_382, %gather3A_310 : vector<16xf32>
        %min3A_391 = arith.minimumf %get3A_384, %gather3A_311 : vector<16xf32>
        %min3A_392 = arith.minimumf %get3A_386, %gather3A_312 : vector<16xf32>
        %sub3A_393 = arith.subf %min3A_391, %max3A_389 : vector<16xf32>
        %max3A_394 = arith.constant 0.000000e+00 : f32
        %max3A_395 = vector.broadcast %max3A_394 : f32 to vector<16xf32>
        %max3A_396 = arith.maximumf %sub3A_393, %max3A_395 : vector<16xf32>
        %sub3A_397 = arith.subf %min3A_392, %max3A_390 : vector<16xf32>
        %max3A_398 = arith.constant 0.000000e+00 : f32
        %max3A_399 = vector.broadcast %max3A_398 : f32 to vector<16xf32>
        %max3A_400 = arith.maximumf %sub3A_397, %max3A_399 : vector<16xf32>
        %mul3A_401 = arith.mulf %max3A_396, %max3A_400 : vector<16xf32>
        %add3A_402 = arith.addf %get3A_388, %mul3A_314 : vector<16xf32>
        %sub3A_403 = arith.subf %add3A_402, %mul3A_401 : vector<16xf32>
        %add3A_404 = arith.constant 9.99999971E-10 : f32
        %add3A_405 = vector.broadcast %add3A_404 : f32 to vector<16xf32>
        %add3A_406 = arith.addf %sub3A_403, %add3A_405 : vector<16xf32>
        %div3A_407 = arith.divf %mul3A_401, %add3A_406 : vector<16xf32>
        %gt3A_408 = arith.constant 5.000000e-01 : f32
        %gt3A_409 = vector.broadcast %gt3A_408 : f32 to vector<16xf32>
        %gt3A_410 = arith.cmpf ogt, %div3A_407, %gt3A_409 : vector<16xf32>
        %or3A_411 = arith.ori %or3A_378, %gt3A_410 : vector<16xi1>
        %get3A_412 = arith.constant 48 : index
        %get3A_413 = tpu.vector_load %arg15[%get3A_412] {strides = array<i32>} : memref<128xf32, #tpu.memory_space<vmem>>, vector<16xf32>,
        %get3A_414 = arith.constant 48 : index
        %get3A_415 = tpu.vector_load %arg16[%get3A_414] {strides = array<i32>} : memref<128xf32, #tpu.memory_space<vmem>>, vector<16xf32>,
        %get3A_416 = arith.constant 48 : index
        %get3A_417 = tpu.vector_load %arg17[%get3A_416] {strides = array<i32>} : memref<128xf32, #tpu.memory_space<vmem>>, vector<16xf32>,
        %get3A_418 = arith.constant 48 : index
        %get3A_419 = tpu.vector_load %arg18[%get3A_418] {strides = array<i32>} : memref<128xf32, #tpu.memory_space<vmem>>, vector<16xf32>,
        %get3A_420 = arith.constant 48 : index
        %get3A_421 = tpu.vector_load %arg19[%get3A_420] {strides = array<i32>} : memref<128xf32, #tpu.memory_space<vmem>>, vector<16xf32>,
        %max3A_422 = arith.maximumf %get3A_413, %gather3A_309 : vector<16xf32>
        %max3A_423 = arith.maximumf %get3A_415, %gather3A_310 : vector<16xf32>
        %min3A_424 = arith.minimumf %get3A_417, %gather3A_311 : vector<16xf32>
        %min3A_425 = arith.minimumf %get3A_419, %gather3A_312 : vector<16xf32>
        %sub3A_426 = arith.subf %min3A_424, %max3A_422 : vector<16xf32>
        %max3A_427 = arith.constant 0.000000e+00 : f32
        %max3A_428 = vector.broadcast %max3A_427 : f32 to vector<16xf32>
        %max3A_429 = arith.maximumf %sub3A_426, %max3A_428 : vector<16xf32>
        %sub3A_430 = arith.subf %min3A_425, %max3A_423 : vector<16xf32>
        %max3A_431 = arith.constant 0.000000e+00 : f32
        %max3A_432 = vector.broadcast %max3A_431 : f32 to vector<16xf32>
        %max3A_433 = arith.maximumf %sub3A_430, %max3A_432 : vector<16xf32>
        %mul3A_434 = arith.mulf %max3A_429, %max3A_433 : vector<16xf32>
        %add3A_435 = arith.addf %get3A_421, %mul3A_314 : vector<16xf32>
        %sub3A_436 = arith.subf %add3A_435, %mul3A_434 : vector<16xf32>
        %add3A_437 = arith.constant 9.99999971E-10 : f32
        %add3A_438 = vector.broadcast %add3A_437 : f32 to vector<16xf32>
        %add3A_439 = arith.addf %sub3A_436, %add3A_438 : vector<16xf32>
        %div3A_440 = arith.divf %mul3A_434, %add3A_439 : vector<16xf32>
        %gt3A_441 = arith.constant 5.000000e-01 : f32
        %gt3A_442 = vector.broadcast %gt3A_441 : f32 to vector<16xf32>
        %gt3A_443 = arith.cmpf ogt, %div3A_440, %gt3A_442 : vector<16xf32>
        %or3A_444 = arith.ori %or3A_411, %gt3A_443 : vector<16xi1>
        %get3A_445 = arith.constant 64 : index
        %get3A_446 = tpu.vector_load %arg15[%get3A_445] {strides = array<i32>} : memref<128xf32, #tpu.memory_space<vmem>>, vector<16xf32>,
        %get3A_447 = arith.constant 64 : index
        %get3A_448 = tpu.vector_load %arg16[%get3A_447] {strides = array<i32>} : memref<128xf32, #tpu.memory_space<vmem>>, vector<16xf32>,
        %get3A_449 = arith.constant 64 : index
        %get3A_450 = tpu.vector_load %arg17[%get3A_449] {strides = array<i32>} : memref<128xf32, #tpu.memory_space<vmem>>, vector<16xf32>,
        %get3A_451 = arith.constant 64 : index
        %get3A_452 = tpu.vector_load %arg18[%get3A_451] {strides = array<i32>} : memref<128xf32, #tpu.memory_space<vmem>>, vector<16xf32>,
        %get3A_453 = arith.constant 64 : index
        %get3A_454 = tpu.vector_load %arg19[%get3A_453] {strides = array<i32>} : memref<128xf32, #tpu.memory_space<vmem>>, vector<16xf32>,
        %max3A_455 = arith.maximumf %get3A_446, %gather3A_309 : vector<16xf32>
        %max3A_456 = arith.maximumf %get3A_448, %gather3A_310 : vector<16xf32>
        %min3A_457 = arith.minimumf %get3A_450, %gather3A_311 : vector<16xf32>
        %min3A_458 = arith.minimumf %get3A_452, %gather3A_312 : vector<16xf32>
        %sub3A_459 = arith.subf %min3A_457, %max3A_455 : vector<16xf32>
        %max3A_460 = arith.constant 0.000000e+00 : f32
        %max3A_461 = vector.broadcast %max3A_460 : f32 to vector<16xf32>
        %max3A_462 = arith.maximumf %sub3A_459, %max3A_461 : vector<16xf32>
        %sub3A_463 = arith.subf %min3A_458, %max3A_456 : vector<16xf32>
        %max3A_464 = arith.constant 0.000000e+00 : f32
        %max3A_465 = vector.broadcast %max3A_464 : f32 to vector<16xf32>
        %max3A_466 = arith.maximumf %sub3A_463, %max3A_465 : vector<16xf32>
        %mul3A_467 = arith.mulf %max3A_462, %max3A_466 : vector<16xf32>
        %add3A_468 = arith.addf %get3A_454, %mul3A_314 : vector<16xf32>
        %sub3A_469 = arith.subf %add3A_468, %mul3A_467 : vector<16xf32>
        %add3A_470 = arith.constant 9.99999971E-10 : f32
        %add3A_471 = vector.broadcast %add3A_470 : f32 to vector<16xf32>
        %add3A_472 = arith.addf %sub3A_469, %add3A_471 : vector<16xf32>
        %div3A_473 = arith.divf %mul3A_467, %add3A_472 : vector<16xf32>
        %gt3A_474 = arith.constant 5.000000e-01 : f32
        %gt3A_475 = vector.broadcast %gt3A_474 : f32 to vector<16xf32>
        %gt3A_476 = arith.cmpf ogt, %div3A_473, %gt3A_475 : vector<16xf32>
        %or3A_477 = arith.ori %or3A_444, %gt3A_476 : vector<16xi1>
        %get3A_478 = arith.constant 80 : index
        %get3A_479 = tpu.vector_load %arg15[%get3A_478] {strides = array<i32>} : memref<128xf32, #tpu.memory_space<vmem>>, vector<16xf32>,
        %get3A_480 = arith.constant 80 : index
        %get3A_481 = tpu.vector_load %arg16[%get3A_480] {strides = array<i32>} : memref<128xf32, #tpu.memory_space<vmem>>, vector<16xf32>,
        %get3A_482 = arith.constant 80 : index
        %get3A_483 = tpu.vector_load %arg17[%get3A_482] {strides = array<i32>} : memref<128xf32, #tpu.memory_space<vmem>>, vector<16xf32>,
        %get3A_484 = arith.constant 80 : index
        %get3A_485 = tpu.vector_load %arg18[%get3A_484] {strides = array<i32>} : memref<128xf32, #tpu.memory_space<vmem>>, vector<16xf32>,
        %get3A_486 = arith.constant 80 : index
        %get3A_487 = tpu.vector_load %arg19[%get3A_486] {strides = array<i32>} : memref<128xf32, #tpu.memory_space<vmem>>, vector<16xf32>,
        %max3A_488 = arith.maximumf %get3A_479, %gather3A_309 : vector<16xf32>
        %max3A_489 = arith.maximumf %get3A_481, %gather3A_310 : vector<16xf32>
        %min3A_490 = arith.minimumf %get3A_483, %gather3A_311 : vector<16xf32>
        %min3A_491 = arith.minimumf %get3A_485, %gather3A_312 : vector<16xf32>
        %sub3A_492 = arith.subf %min3A_490, %max3A_488 : vector<16xf32>
        %max3A_493 = arith.constant 0.000000e+00 : f32
        %max3A_494 = vector.broadcast %max3A_493 : f32 to vector<16xf32>
        %max3A_495 = arith.maximumf %sub3A_492, %max3A_494 : vector<16xf32>
        %sub3A_496 = arith.subf %min3A_491, %max3A_489 : vector<16xf32>
        %max3A_497 = arith.constant 0.000000e+00 : f32
        %max3A_498 = vector.broadcast %max3A_497 : f32 to vector<16xf32>
        %max3A_499 = arith.maximumf %sub3A_496, %max3A_498 : vector<16xf32>
        %mul3A_500 = arith.mulf %max3A_495, %max3A_499 : vector<16xf32>
        %add3A_501 = arith.addf %get3A_487, %mul3A_314 : vector<16xf32>
        %sub3A_502 = arith.subf %add3A_501, %mul3A_500 : vector<16xf32>
        %add3A_503 = arith.constant 9.99999971E-10 : f32
        %add3A_504 = vector.broadcast %add3A_503 : f32 to vector<16xf32>
        %add3A_505 = arith.addf %sub3A_502, %add3A_504 : vector<16xf32>
        %div3A_506 = arith.divf %mul3A_500, %add3A_505 : vector<16xf32>
        %gt3A_507 = arith.constant 5.000000e-01 : f32
        %gt3A_508 = vector.broadcast %gt3A_507 : f32 to vector<16xf32>
        %gt3A_509 = arith.cmpf ogt, %div3A_506, %gt3A_508 : vector<16xf32>
        %or3A_510 = arith.ori %or3A_477, %gt3A_509 : vector<16xi1>
        %get3A_511 = arith.constant 96 : index
        %get3A_512 = tpu.vector_load %arg15[%get3A_511] {strides = array<i32>} : memref<128xf32, #tpu.memory_space<vmem>>, vector<16xf32>,
        %get3A_513 = arith.constant 96 : index
        %get3A_514 = tpu.vector_load %arg16[%get3A_513] {strides = array<i32>} : memref<128xf32, #tpu.memory_space<vmem>>, vector<16xf32>,
        %get3A_515 = arith.constant 96 : index
        %get3A_516 = tpu.vector_load %arg17[%get3A_515] {strides = array<i32>} : memref<128xf32, #tpu.memory_space<vmem>>, vector<16xf32>,
        %get3A_517 = arith.constant 96 : index
        %get3A_518 = tpu.vector_load %arg18[%get3A_517] {strides = array<i32>} : memref<128xf32, #tpu.memory_space<vmem>>, vector<16xf32>,
        %get3A_519 = arith.constant 96 : index
        %get3A_520 = tpu.vector_load %arg19[%get3A_519] {strides = array<i32>} : memref<128xf32, #tpu.memory_space<vmem>>, vector<16xf32>,
        %max3A_521 = arith.maximumf %get3A_512, %gather3A_309 : vector<16xf32>
        %max3A_522 = arith.maximumf %get3A_514, %gather3A_310 : vector<16xf32>
        %min3A_523 = arith.minimumf %get3A_516, %gather3A_311 : vector<16xf32>
        %min3A_524 = arith.minimumf %get3A_518, %gather3A_312 : vector<16xf32>
        %sub3A_525 = arith.subf %min3A_523, %max3A_521 : vector<16xf32>
        %max3A_526 = arith.constant 0.000000e+00 : f32
        %max3A_527 = vector.broadcast %max3A_526 : f32 to vector<16xf32>
        %max3A_528 = arith.maximumf %sub3A_525, %max3A_527 : vector<16xf32>
        %sub3A_529 = arith.subf %min3A_524, %max3A_522 : vector<16xf32>
        %max3A_530 = arith.constant 0.000000e+00 : f32
        %max3A_531 = vector.broadcast %max3A_530 : f32 to vector<16xf32>
        %max3A_532 = arith.maximumf %sub3A_529, %max3A_531 : vector<16xf32>
        %mul3A_533 = arith.mulf %max3A_528, %max3A_532 : vector<16xf32>
        %add3A_534 = arith.addf %get3A_520, %mul3A_314 : vector<16xf32>
        %sub3A_535 = arith.subf %add3A_534, %mul3A_533 : vector<16xf32>
        %add3A_536 = arith.constant 9.99999971E-10 : f32
        %add3A_537 = vector.broadcast %add3A_536 : f32 to vector<16xf32>
        %add3A_538 = arith.addf %sub3A_535, %add3A_537 : vector<16xf32>
        %div3A_539 = arith.divf %mul3A_533, %add3A_538 : vector<16xf32>
        %gt3A_540 = arith.constant 5.000000e-01 : f32
        %gt3A_541 = vector.broadcast %gt3A_540 : f32 to vector<16xf32>
        %gt3A_542 = arith.cmpf ogt, %div3A_539, %gt3A_541 : vector<16xf32>
        %or3A_543 = arith.ori %or3A_510, %gt3A_542 : vector<16xi1>
        %all_reduce_population_count3A = tpu.all_reduce %or3A_543 {dim = 0 : i64, kind = #tpu.reduction_kind<sum>} : vector<16xi1> -> vector<16xi32>
        %slice3A = vector.extract_strided_slice %all_reduce_population_count3A {offsets = [0], sizes = [1], strides = [1]} : vector<16xi32> to vector<1xi32>
        %squeeze3A = vector.extract %slice3A[0] : i32 from vector<1xi32>
        %gt3A_544 = arith.constant 0 : i32
        %gt3A_545 = arith.cmpi sgt, %squeeze3A, %gt3A_544 : i32
        %not3A = arith.constant true
        %not3A_546 = arith.xori %gt3A_545, %not3A : i1
        tpu.vector_store_idx %arg12[%add3A_308], %broadcast_in_dim3A_12 masked %eq3A_6 : memref<20480xf32, #tpu.memory_space<vmem>>[vector<16xi32>], vector<16xf32>, vector<16xi1>
        %mul3A_547 = arith.constant 16 : i32
        %mul3A_548 = vector.broadcast %mul3A_547 : i32 to vector<16xi32>
        %mul3A_549 = arith.muli %add3A_297, %mul3A_548 : vector<16xi32>
        %add3A_550 = arith.addi %mul3A_549, %iota3A : vector<16xi32>
        %gather3A_551 = tpu.vector_load_idx %arg12[%add3A_550] : memref<20480xf32, #tpu.memory_space<vmem>>[vector<16xi32>], vector<16xf32>,
        %broadcast_in_dim3A_552 = arith.constant true
        %broadcast_in_dim3A_553 = vector.broadcast %broadcast_in_dim3A_552 : i1 to vector<16xi1>
        %masked_cummax3A = tpu.scan <max>, %gather3A_551 masked %broadcast_in_dim3A_553 : vector<16xf32>, vector<16xi1> -> vector<16xf32>
        %ge3A = arith.constant 5.000000e-02 : f32
        %ge3A_554 = vector.broadcast %ge3A : f32 to vector<16xf32>
        %ge3A_555 = arith.cmpf oge, %masked_cummax3A, %ge3A_554 : vector<16xf32>
        %select_n3A = arith.select %ge3A_555, %masked_cummax3A, %broadcast_in_dim3A_12 : vector<16xi1>, vector<16xf32>
        tpu.vector_store_idx %arg13[%add3A_297], %select_n3A masked %eq3A_9 : memref<1280xf32, #tpu.memory_space<vmem>>[vector<16xi32>], vector<16xf32>, vector<16xi1>
        %mul3A_556 = arith.constant 16 : i32
        %mul3A_557 = vector.broadcast %mul3A_556 : i32 to vector<16xi32>
        %mul3A_558 = arith.muli %add3A_286, %mul3A_557 : vector<16xi32>
        %add3A_559 = arith.addi %mul3A_558, %iota3A : vector<16xi32>
        %gather3A_560 = tpu.vector_load_idx %arg13[%add3A_559] : memref<1280xf32, #tpu.memory_space<vmem>>[vector<16xi32>], vector<16xf32>,
        %broadcast_in_dim3A_561 = arith.constant true
        %broadcast_in_dim3A_562 = vector.broadcast %broadcast_in_dim3A_561 : i1 to vector<16xi1>
        %masked_cummax3A_563 = tpu.scan <max>, %gather3A_560 masked %broadcast_in_dim3A_562 : vector<16xf32>, vector<16xi1> -> vector<16xf32>
        tpu.vector_store_idx %arg14[%add3A_286], %masked_cummax3A_563 masked %eq3A_9 : memref<256xf32, #tpu.memory_space<vmem>>[vector<16xi32>], vector<16xf32>, vector<16xi1>
        %mul3A_564 = arith.constant 16 : i32
        %mul3A_565 = vector.broadcast %mul3A_564 : i32 to vector<16xi32>
        %mul3A_566 = arith.muli %all_reduce_ffs3A, %mul3A_565 : vector<16xi32>
        %add3A_567 = arith.addi %mul3A_566, %iota3A : vector<16xi32>
        %gather3A_568 = tpu.vector_load_idx %arg14[%add3A_567] : memref<256xf32, #tpu.memory_space<vmem>>[vector<16xi32>], vector<16xf32>,
        %broadcast_in_dim3A_569 = arith.constant true
        %broadcast_in_dim3A_570 = vector.broadcast %broadcast_in_dim3A_569 : i1 to vector<16xi1>
        %masked_cummax3A_571 = tpu.scan <max>, %gather3A_568 masked %broadcast_in_dim3A_570 : vector<16xf32>, vector<16xi1> -> vector<16xf32>
        %eq3A_572 = arith.cmpi eq, %iota3A, %all_reduce_ffs3A : vector<16xi32>
        %slice3A_573 = vector.extract_strided_slice %masked_cummax3A_571 {offsets = [15], sizes = [1], strides = [1]} : vector<16xf32> to vector<1xf32>
        %squeeze3A_574 = vector.extract %slice3A_573[0] : f32 from vector<1xf32>
        %broadcast_in_dim3A_575 = vector.broadcast %squeeze3A_574 : f32 to vector<16xf32>
        %select_n3A_576 = arith.select %eq3A_572, %broadcast_in_dim3A_575, %while3A_273 : vector<16xi1>, vector<16xf32>
        %reduce_max3A_577 = arith.constant true
        %reduce_max3A_578 = vector.broadcast %reduce_max3A_577 : i1 to vector<16xi1>
        %reduce_max3A_579 = tpu.scan <max>, %select_n3A_576 masked %reduce_max3A_578 : vector<16xf32>, vector<16xi1> -> vector<16xf32>
        %reduce_max3A_580 = vector.extract %reduce_max3A_579[15] : f32 from vector<16xf32>
        %broadcast_in_dim3A_581 = vector.broadcast %while3A_271 : i32 to vector<16xi32>
        %convert_element_type3A_582 = arith.extui %not3A_546 : i1 to i32
        %cond3A_583 = arith.constant 0 : i32
        %cond3A_584 = arith.cmpi ne, %convert_element_type3A_582, %cond3A_583 : i32
        scf.if %cond3A_584 {
          %eq3A_587 = arith.constant 0 : i32
          %eq3A_588 = vector.broadcast %eq3A_587 : i32 to vector<16xi32>
          %eq3A_589 = arith.cmpi eq, %iota3A, %eq3A_588 : vector<16xi32>
          %eq3A_590 = arith.constant 1 : i32
          %eq3A_591 = vector.broadcast %eq3A_590 : i32 to vector<16xi32>
          %eq3A_592 = arith.cmpi eq, %iota3A, %eq3A_591 : vector<16xi32>
          %eq3A_593 = arith.constant 2 : i32
          %eq3A_594 = vector.broadcast %eq3A_593 : i32 to vector<16xi32>
          %eq3A_595 = arith.cmpi eq, %iota3A, %eq3A_594 : vector<16xi32>
          %eq3A_596 = arith.constant 3 : i32
          %eq3A_597 = vector.broadcast %eq3A_596 : i32 to vector<16xi32>
          %eq3A_598 = arith.cmpi eq, %iota3A, %eq3A_597 : vector<16xi32>
          %select_n3A_599 = arith.select %eq3A_598, %gather3A_312, %broadcast_in_dim3A_274 : vector<16xi1>, vector<16xf32>
          %select_n3A_600 = arith.select %eq3A_595, %gather3A_311, %select_n3A_599 : vector<16xi1>, vector<16xf32>
          %select_n3A_601 = arith.select %eq3A_592, %gather3A_310, %select_n3A_600 : vector<16xi1>, vector<16xf32>
          %select_n3A_602 = arith.select %eq3A_589, %gather3A_309, %select_n3A_601 : vector<16xi1>, vector<16xf32>
          %mul3A_603 = arith.constant 8 : i32
          %mul3A_604 = vector.broadcast %mul3A_603 : i32 to vector<16xi32>
          %mul3A_605 = arith.muli %broadcast_in_dim3A_581, %mul3A_604 : vector<16xi32>
          %add3A_606 = arith.addi %mul3A_605, %iota3A : vector<16xi32>
          tpu.vector_store_idx %arg20[%add3A_606], %select_n3A_602 masked %lt3A_11 : memref<1024xf32, #tpu.memory_space<vmem>>[vector<16xi32>], vector<16xf32>, vector<16xi1>
          tpu.vector_store_idx %arg15[%broadcast_in_dim3A_581], %gather3A_309 masked %eq3A_6 : memref<128xf32, #tpu.memory_space<vmem>>[vector<16xi32>], vector<16xf32>, vector<16xi1>
          tpu.vector_store_idx %arg16[%broadcast_in_dim3A_581], %gather3A_310 masked %eq3A_6 : memref<128xf32, #tpu.memory_space<vmem>>[vector<16xi32>], vector<16xf32>, vector<16xi1>
          tpu.vector_store_idx %arg17[%broadcast_in_dim3A_581], %gather3A_311 masked %eq3A_6 : memref<128xf32, #tpu.memory_space<vmem>>[vector<16xi32>], vector<16xf32>, vector<16xi1>
          tpu.vector_store_idx %arg18[%broadcast_in_dim3A_581], %gather3A_312 masked %eq3A_6 : memref<128xf32, #tpu.memory_space<vmem>>[vector<16xi32>], vector<16xf32>, vector<16xi1>
          tpu.vector_store_idx %arg19[%broadcast_in_dim3A_581], %mul3A_314 masked %eq3A_6 : memref<128xf32, #tpu.memory_space<vmem>>[vector<16xi32>], vector<16xf32>, vector<16xi1>
        } else {
        }
        %convert_element_type3A_585 = arith.extui %not3A_546 : i1 to i32
        %add3A_586 = arith.addi %while3A_271, %convert_element_type3A_585 : i32
        scf.yield %add3A_586, %reduce_max3A_580, %select_n3A_576 : i32, f32, vector<16xf32>
      }
      %lt3A_266 = arith.constant 100 : i32
      %lt3A_267 = arith.cmpi slt, %while3A_265#0, %lt3A_266 : i32
      %convert_element_type3A_268 = arith.extui %lt3A_267 : i1 to i32
      %cond3A_269 = arith.constant 0 : i32
      %cond3A_270 = arith.cmpi ne, %convert_element_type3A_268, %cond3A_269 : i32
      scf.if %cond3A_270 {
        %mul3A_271 = arith.constant 0 : i32
        %mul3A_272 = vector.broadcast %mul3A_271 : i32 to vector<16xi32>
        %mul3A_273 = arith.muli %iota3A, %mul3A_272 : vector<16xi32>
        %eq3A_274 = arith.constant 0 : i32
        %eq3A_275 = vector.broadcast %eq3A_274 : i32 to vector<16xi32>
        %eq3A_276 = arith.cmpi eq, %iota3A, %eq3A_275 : vector<16xi32>
        %gather3A_277 = tpu.vector_load_idx %arg8[%mul3A_273] : memref<20480xf32, #tpu.memory_space<vmem>>[vector<16xi32>], vector<16xf32>,
        %eq3A_278 = arith.constant 1 : i32
        %eq3A_279 = vector.broadcast %eq3A_278 : i32 to vector<16xi32>
        %eq3A_280 = arith.cmpi eq, %iota3A, %eq3A_279 : vector<16xi32>
        %gather3A_281 = tpu.vector_load_idx %arg9[%mul3A_273] : memref<20480xf32, #tpu.memory_space<vmem>>[vector<16xi32>], vector<16xf32>,
        %eq3A_282 = arith.constant 2 : i32
        %eq3A_283 = vector.broadcast %eq3A_282 : i32 to vector<16xi32>
        %eq3A_284 = arith.cmpi eq, %iota3A, %eq3A_283 : vector<16xi32>
        %gather3A_285 = tpu.vector_load_idx %arg10[%mul3A_273] : memref<20480xf32, #tpu.memory_space<vmem>>[vector<16xi32>], vector<16xf32>,
        %eq3A_286 = arith.constant 3 : i32
        %eq3A_287 = vector.broadcast %eq3A_286 : i32 to vector<16xi32>
        %eq3A_288 = arith.cmpi eq, %iota3A, %eq3A_287 : vector<16xi32>
        %gather3A_289 = tpu.vector_load_idx %arg11[%mul3A_273] : memref<20480xf32, #tpu.memory_space<vmem>>[vector<16xi32>], vector<16xf32>,
        %select_n3A = arith.select %eq3A_288, %gather3A_289, %broadcast_in_dim3A_12 : vector<16xi1>, vector<16xf32>
        %select_n3A_290 = arith.select %eq3A_284, %gather3A_285, %select_n3A : vector<16xi1>, vector<16xf32>
        %select_n3A_291 = arith.select %eq3A_280, %gather3A_281, %select_n3A_290 : vector<16xi1>, vector<16xf32>
        %select_n3A_292 = arith.select %eq3A_276, %gather3A_277, %select_n3A_291 : vector<16xi1>, vector<16xf32>
        %while3A_293 = scf.while (%while3A_294 = %while3A_265#0) : (i32) -> i32 {
          %lt3A_295 = arith.constant 100 : i32
          %lt3A_296 = arith.cmpi slt, %while3A_294, %lt3A_295 : i32
          scf.condition(%lt3A_296) %while3A_294 : i32
        } do {
        ^bb0(%while3A_294: i32):
          %broadcast_in_dim3A_295 = vector.broadcast %while3A_294 : i32 to vector<16xi32>
          %mul3A_296 = arith.constant 8 : i32
          %mul3A_297 = vector.broadcast %mul3A_296 : i32 to vector<16xi32>
          %mul3A_298 = arith.muli %broadcast_in_dim3A_295, %mul3A_297 : vector<16xi32>
          %add3A_299 = arith.addi %mul3A_298, %iota3A : vector<16xi32>
          tpu.vector_store_idx %arg20[%add3A_299], %select_n3A_292 masked %lt3A_11 : memref<1024xf32, #tpu.memory_space<vmem>>[vector<16xi32>], vector<16xf32>, vector<16xi1>
          %add3A_300 = arith.constant 1 : i32
          %add3A_301 = arith.addi %while3A_294, %add3A_300 : i32
          scf.yield %add3A_301 : i32
        }
      } else {
      }
      "tpu.region"() ({
        %run_scoped3A = tpu.sem_alloc : memref<!tpu.dma_semaphore, #tpu.memory_space<semaphore_mem>>
        tpu.enqueue_dma source(%arg20 : memref<1024xf32, #tpu.memory_space<vmem>>) target(%arg7 : memref<1024xf32, #tpu.memory_space<hbm>>) target_semaphore(%run_scoped3A : memref<!tpu.dma_semaphore, #tpu.memory_space<semaphore_mem>>)
        tpu.wait_dma2 semaphore(%run_scoped3A : memref<!tpu.dma_semaphore, #tpu.memory_space<semaphore_mem>>) src(%arg20 : memref<1024xf32, #tpu.memory_space<vmem>>) dst(%arg7 : memref<1024xf32, #tpu.memory_space<hbm>>)
        tpu.yield
      }) : () -> ()
    } else {
    }
    return
  }
}

</mosaic_0001>

<sc_bundles>
// kernel: kernel.3.cloned.1.call-start
scs
__scs_entry_jumppad:
0x0: {  	(pc) =	sbr.rel $0x88, $3  }
0x1: {  	(tag) =	ssettag $0x0;
	lr =	simm.s32 $0x1  }
0x2: {  	[smem:$0x3F9F] =	sst lr;
	_ =	strace $0xD0000000  }
0x3: {  	_ = 	snop  }
0x4: {  	_ = 	snop  }
0x5: {  	_ = 	snop  }
0x6: {  	_ = 	snop  }
0x7: {  	_ = 	snop  }
__scs_overlays_trampoline_lowered:
0x8: {  	[smem:$0x3FAE] =	sst s0  }
0x9: {  	[smem:$0x3FAF] =	sst s1  }
0xa: {  	[smem:$0x3FB0] =	sst s2  }
0xb: {  	[smem:$0x3FB1] =	sst s3  }
0xc: {  	[smem:$0x3FB2] =	sst s4  }
0xd: {  	[smem:$0x3FB3] =	sst s5  }
0xe: {  	[smem:$0x3FB4] =	sst s6  }
0xf: {  	[smem:$0x3FB5] =	sst s7  }
0x10: {  	[smem:$0x3FB6] =	sst s8  }
0x11: {  	[smem:$0x3FB7] =	sst s9;
	s0 =	simm.s32 @!p0 $0x0  }
0x12: {  	s1 =	sld [smem:$0x3F9D];
	s0 =	simm.s32 @p0 $0x1  }
0x13: {  	[smem:$0x3FB8] =	sst s0;
	s0 =	simm.s32 @!p1 $0x0  }
0x14: {  	s2 =	sld [smem:$0x3F9C];
	s0 =	simm.s32 @p1 $0x1  }
0x15: {  	[smem:$0x3FB9] =	sst s0;
	s0 =	simm.s32 @!p2 $0x0  }
0x16: {  	s3 =	sld [smem:$0x3FDB];
	s0 =	simm.s32 @p2 $0x1  }
0x17: {  	s4 =	simm.s32 $0x1BF5;
	[smem:$0x3FBB] =	sst s0  }
0x18: {  	s0 =	sld [smem:$0x3F9E];
	_ =	swait.ge [sflag:s4], $0x0  }
0x19: {  	s7 =	sld [smem:$0x3F9F]  }
0x1a: {  	s8 =	sadd.s32 $0xFFFFE003, lr  }
0x1b: {  	s9 =	sadd.s32 $0xFFFFFEF7, lr;
	s5 =	simm.s32 $0xFFFFFFFF;
	p2 =	slt.u32 s8, $0xFFFFF086  }
0x1c: {  	p1 =	slt.u32 s9, $0xF7A;
	s5 =	simm.s32 @!p2 $0x0  }
0x1d: {  	s5 =	simm.s32 @p1 $0x1;
	p0 =	seq.s32 s7, s2  }
0x1e: {  	s7 =	smul.u32 @!p0 $0xF7A, s2;
	p2 =	seq.s32 @!p0 s5, $0x0  }
0x1f: {  	s9 =	smul.u32 $0xF7A, s1;
	s8 =	simm.s32 @!p0 $0x1BF5;
	p2 =	por !p2, p0  }
0x20: {  	[sflag:s8] =	ssyncset.s32 @!p0 $0xFFFFF086;
	s6 =	sadd.s32 @!p0 s3, s7;
	s7 =	simm.s32 @!p0 $0x108  }
0x21: {  	s3 =	sadd.s32 s3, s9;
	s6 =	sadd.s32 @!p0 $0x88, s6;
	s7 =	simm.s32 @p2 $0x1082  }
0x22: {  	[simem:s7], [sflag:s8] =	dma.local @!p0 [hbm:s6], $0xF7A  }
0x23: {  	s9 =	sor.u32 $0xD0000000, s2;
	s6 =	simm.s32 $0x108;
	_ =	swait.ge @!p0 [sflag:s8], $0x0  }
0x24: {  	s3 =	sadd.s32 $0x88, s3;
	s6 =	simm.s32 @!p1 $0x1082;
	[sflag:s4] =	ssyncset.s32 $0xFFFFF086  }
0x25: {  	[simem:s6], [sflag:s4] =	dma.local [hbm:s3], $0xF7A  }
0x26: {  	[smem:$0x3F9F] =	sst s1;
	(tag) =	ssettag s2;
	_ =	strace s9  }
0x27: {  	s1 =	sld [smem:$0x3FAF]  }
0x28: {  	s2 =	sld [smem:$0x3FB0]  }
0x29: {  	s4 =	sld [smem:$0x3FB2]  }
0x2a: {  	p0 =	seq.s32 s5, $0x0;
	s5 =	sld [smem:$0x3FB3]  }
0x2b: {  	s6 =	sld [smem:$0x3FB4]  }
0x2c: {  	s7 =	sld [smem:$0x3FB5]  }
0x2d: {  	s3 =	simm.s32 $0x108;
	s8 =	sld [smem:$0x3FB6]  }
0x2e: {  	s3 =	simm.s32 @!p0 $0x1082;
	s9 =	sld [smem:$0x3FB7]  }
0x2f: {  	lr =	sadd.s32 s0, s3;
	s0 =	sld [smem:$0x3FAE]  }
0x30: {  	s3 =	sld [smem:$0x3FB1]  }
0x31: {  	[smem:$0x3FBA] =	sst s10  }
0x32: {  	s10 =	sld [smem:$0x3FB8];
	_ =	sdelay $0x3  }
0x33: {  	p0 =	seq.s32 s10, $0x1;
	s10 =	sld [smem:$0x3FBA];
	_ =	sdelay $0x3  }
0x34: {  	[smem:$0x3FBA] =	sst s10  }
0x35: {  	s10 =	sld [smem:$0x3FB9];
	_ =	sdelay $0x3  }
0x36: {  	p1 =	seq.s32 s10, $0x1;
	s10 =	sld [smem:$0x3FBA];
	_ =	sdelay $0x3  }
0x37: {  	[smem:$0x3FBA] =	sst s10  }
0x38: {  	s10 =	sld [smem:$0x3FBB]  }
0x39: {  	_ = 	snop;
	(pc) =	sbr.ind lr, $3  }
0x3a: {  	_ = 	snop  }
0x3b: {  	_ = 	snop  }
0x3c: {  	p2 =	seq.s32 s10, $0x1;
	s10 =	sld [smem:$0x3FBA]  }
0x3d: {  	_ =	shalt  }
0x3e: {  	_ =	shalt  }
0x3f: {  	_ =	shalt  }
0x40: {  	_ =	shalt  }
0x41: {  	_ =	shalt  }
0x42: {  	_ =	shalt  }
0x43: {  	_ =	shalt  }
0x44: {  	_ =	shalt  }
0x45: {  	_ =	shalt  }
0x46: {  	_ =	shalt  }
0x47: {  	_ =	shalt  }
0x48: {  	_ =	shalt  }
0x49: {  	_ =	shalt  }
0x4a: {  	_ =	shalt  }
0x4b: {  	_ =	shalt  }
0x4c: {  	_ =	shalt  }
0x4d: {  	_ =	shalt  }
0x4e: {  	_ =	shalt  }
0x4f: {  	_ =	shalt  }
0x50: {  	_ =	shalt  }
0x51: {  	_ =	shalt  }
0x52: {  	_ =	shalt  }
0x53: {  	_ =	shalt  }
0x54: {  	_ =	shalt  }
0x55: {  	_ =	shalt  }
0x56: {  	_ =	shalt  }
0x57: {  	_ =	shalt  }
0x58: {  	_ =	shalt  }
0x59: {  	_ =	shalt  }
0x5a: {  	_ =	shalt  }
0x5b: {  	_ =	shalt  }
0x5c: {  	_ =	shalt  }
0x5d: {  	_ =	shalt  }
0x5e: {  	_ =	shalt  }
0x5f: {  	_ =	shalt  }
0x60: {  	_ =	shalt  }
0x61: {  	_ =	shalt  }
0x62: {  	_ =	shalt  }
0x63: {  	_ =	shalt  }
0x64: {  	_ =	shalt  }
0x65: {  	_ =	shalt  }
0x66: {  	_ =	shalt  }
0x67: {  	_ =	shalt  }
0x68: {  	_ =	shalt  }
0x69: {  	_ =	shalt  }
0x6a: {  	_ =	shalt  }
0x6b: {  	_ =	shalt  }
0x6c: {  	_ =	shalt  }
0x6d: {  	_ =	shalt  }
0x6e: {  	_ =	shalt  }
0x6f: {  	_ =	shalt  }
0x70: {  	_ =	shalt  }
0x71: {  	_ =	shalt  }
0x72: {  	_ =	shalt  }
0x73: {  	_ =	shalt  }
0x74: {  	_ =	shalt  }
0x75: {  	_ =	shalt  }
0x76: {  	_ =	shalt  }
0x77: {  	_ =	shalt  }
0x78: {  	_ =	shalt  }
0x79: {  	_ =	shalt  }
0x7a: {  	_ =	shalt  }
0x7b: {  	_ =	shalt  }
0x7c: {  	_ =	shalt  }
0x7d: {  	_ =	shalt  }
0x7e: {  	_ =	shalt  }
0x7f: {  	_ =	shalt  }
0x80: {  	_ =	shalt  }
0x81: {  	_ =	shalt  }
0x82: {  	_ =	shalt  }
0x83: {  	_ =	shalt  }
0x84: {  	_ =	shalt  }
0x85: {  	_ =	shalt  }
0x86: {  	_ =	shalt  }
0x87: {  	_ =	shalt  }
.Lfunc_end0:
.L_simem_size_0:
called_computation_lowered:
.L_overlay_start_0:
0x88: {  	s2 =	sld [smem:$0x3FD9]  }
0x89: {  	s3 =	sld [smem:$0x3FFE];
	_ =	sdelay $0x1  }
0x8a: {  	s1 =	srdreg.scid  }
0x8b: {  	s0 =	sand.u32 $0x1, s1  }
0x8c: {  	s17 =	sshll.u32 s0, $0xA;
	s2 =	sadd.s32 s3, s2  }
0x8d: {  	s2 =	sadd.s32 s2, s17  }
0x8e: {  	[smem:$0x3FC6] =	sst s2  }
0x8f: {  	_ = 	snop  }
0x90: {  	s2 =	sld [smem:$0x3FD0];
	(tm) =	ssettm $0x1  }
0x91: {  	s18 =	sld [smem:$0x3FFB];
	_ =	sdelay $0x3  }
0x92: {  	_ =	strace s18  }
0x93: {  	s3 =	sld [smem:$0x3FFC];
	_ =	sdelay $0x3  }
0x94: {  	_ =	strace s3  }
0x95: {  	s3 =	sld [smem:$0x3FFD];
	_ =	sdelay $0x3  }
0x96: {  	_ =	strace s3  }
0x97: {  	_ =	strace $0x8FFFFFFF  }
0x98: {  	s19 =	sld [smem:$0x3FDB];
	_ =	sdelay $0x1  }
0x99: {  	s4 =	simm.s32 $_scs_section_size  }
0x9a: {  	s5 =	simm.s32 $_size__tile_overlayer_lowered;
	s6 =	simm.s32 $_tile_overlayer_lowered  }
0x9b: {  	s22 =	simm.s32 $0x1BFF;
	s21 =	sshll.u32 s6, $0x1;
	s3 =	sadd.s32 s4, s19  }
0x9c: {  	s7 =	simm.s32 $0x0;
	s20 =	sshll.u32 s5, $0x1;
	s5 =	sadd.s32 s21, s3  }
0x9d: {  	[timem:s7], [sflag:s22] =	dma.local [hbm:s5], s20  }
0x9e: {  	_ =	swait.ge [sflag:s22], s20  }
0x9f: {  	s4 =	ssub.s32 $0x0, s20;
	[sflag:s22] =	ssyncset.done $0x0  }
0xa0: {  	[sflag:s22] =	ssyncadd.s32 s4;
	_ =	sdelay $0x1  }
0xa1: {  	s23 =	simm.s32 $0x1B8B  }
0xa2: {  	_ =	swait.ge [sflag:s23], $0x1  }
0xa3: {  	[sflag:s23] =	ssyncset.done $0x0  }
0xa4: {  	s25 =	simm.s32 $0x1B8E;
	s24 =	sld [smem:$0x3FFE];
	[sflag:s23] =	ssyncadd.s32 $0xFFFFFFFF  }
0xa5: {  	s26 =	simm.s32 $execute0_lowered;
	[smem:$0x3FD2] =	sst s25  }
0xa6: {  	s5 =	sshll.u32 s26, $0x1;
	_ =	strace $0x80000046;
	[dreg:$0x1] =	wrdreg $0xFFFFFFFF  }
0xa7: {  	s28 =	simm.s32 $_size_execute0_lowered;
	s3 =	sadd.s32 s3, s5;
	[dreg:$0x0] =	wrdreg $0x0  }
0xa8: {  	s5 =	sshll.u32 s28, $0x1;
	[dreg:$0x2] =	wrdreg s3  }
0xa9: {  	[dreg:$0x3] =	wrdreg s5  }
0xaa: {  	[dreg:$0x4] =	wrdreg $0xC0  }
0xab: {  	_ =	task [dreg:s7], $0x5FFFF  }
0xac: {  	[dreg:$0x1] =	wrdreg $0xFFFFFFFF  }
0xad: {  	[dreg:$0x0] =	wrdreg $0x60  }
0xae: {  	[dreg:$0x2] =	wrdreg s24  }
0xaf: {  	[dreg:$0x3] =	wrdreg s2  }
0xb0: {  	[dreg:$0x4] =	wrdreg $0x9  }
0xb1: {  	_ =	task.clear_ibuf [dreg:s7], $0x5FFFF;
	_ =	strace $0x90000046  }
0xb2: {  	s29 =	simm.s32 $0x9;
	_ =	strace $0x80000048  }
0xb3: {  	_ =	swait.ge [sflag:s29], $0x1  }
0xb4: {  	[sflag:s29] =	ssyncadd.s32 $0xFFFFFFFF  }
0xb5: {  	_ =	strace $0x90000048  }
0xb6: {  	_ =	sfence  }
0xb7: {  	s30 =	sld [smem:$0x0];
	_ =	sdelay $0x2  }
0xb8: {  	s31 =	sshll.u32 s1, $0xD;
	s1 =	sshrl.u32 s1, $0x2  }
0xb9: {  	s3 =	sand.u32 $0x4000, s31;
	s1 =	sadd.s32 s1, s30  }
0xba: {  	s0 =	sor.u32 s3, s0;
	s1 =	sshll.u32 s1, $0x11  }
0xbb: {  	s0 =	sor.u32 s1, s0  }
0xbc: {  	s0 =	sadd.s32 $0x8F2B, s0  }
0xbd: {  	[sflag:s0] =	ssyncadd.remote.s32 $0x1  }
0xbe: {  	_ =	sfence.sel $0xFFFF  }
0xbf: {  	[dreg:$0x0] =	wrdreg $0xFFFFFFFF;
	(pc) =	sbr.abs _section_cstart, $3  }
0xc0: {  	[dreg:$0x1] =	wrdreg $0xFFFFFFFF  }
0xc1: {  	_ =	task.clear_ibuf [dreg:s7], $0x2FFFF;
	_ =	strace $0x9FFFFFFF  }
0xc2: {  	(tm) =	ssettm $0x7FFFFFFF  }
0xc3: {  	_ =	shalt  }
tec
execute0_lowered:
.L_overlay_start_1:
0x0: {  	(tag) =	ssettag $0x1  }
0x1: {  	s0 =	srdreg.scid  }
0x2: {  	s4 =	sand.u32 $0x1, s0;
	s0 =	stileid.u32  }
0x3: {  	s5 =	sor.u32 s0, s4  }
0x4: {  	p0 =	sne.s32 s5, $0x0  }
.Ltmp0:
0x5: {  	_ = 	snop;
	(pc) =	sbr.rel @!p0 .LBB2_1-.Ltmp0, $4  }
0x6: {  	_ = 	snop  }
0x7: {  	s2 =	rddreg [dreg:$0x0]  }
0x8: {  	s3 =	rddreg [dreg:$0x1]  }
0x9: {  	s1 =	rddreg [dreg:$0x2];
	_ =	strace $0x80000047  }
.LBB2_14:
0xa: {  	_ =	sfence.sel $0x180000  }
0xb: {  	[bflag:$0x0] =	sbarrier.arrive $0xFFFF  }
0xc: {  	p0 =	sne.s32 s0, $0x0;
	_ =	strace $0x90000047  }
0xd: {  	s0 =	sadd.s32 @!p0 $0x100000, s1;
	[bflag:$0x2] =	sbarrier.arrive $0xFFFF  }
0xe: {  	[sflag:s0] =	ssyncadd.tile.s32 @!p0 $0x1;
	_ =	shalt  }
.LBB2_1:
0xf: {  	v0 =	vlaneseq.u32  }
0x10: {  	v2 =	vimm.f32 $0.0e+00;
	v1 =	vand.u32 $0x7, v0  }
0x11: {  	s8 =	ssub.s32 $0x2, s4;
	s4 =	sadd.s32 $0xA00, s2;
	v19 =	vimm.f32 $-Inf;
	vm0 =	vcmask $0x3F10;
	v3 =	vmul.u32 $0x10, v1  }
0x12: {  	s5 =	sadd.s32 $0x1400, s2;
	s6 =	sadd.s32 $0x1E00, s2;
	s7 =	sadd.s32 $0x2800, s2;
	vm1 =	vcmask $0x3F0C;
	vm2 =	vcmask $0x3F08;
	v1 =	vmul.u32 $0x10, v0  }
0x13: {  	s10 =	simm.s32 $0x14000;
	s11 =	simm.s32 $0x5000;
	s12 =	simm.s32 $0xA000;
	vm3 =	vmmov $0x1;
	vm4 =	vcmask $0x3F3C;
	v3 =	vor.u32 $0xFFFFFF80, v3  }
.Ltmp1:
0x14: {  	s13 =	simm.s32 $0xF000;
	s14 =	simm.s32 $0x1;
	v4 =	vor.u32 $0x1, v1;
	v5 =	vor.u32 $0x2, v1;
	v6 =	vor.u32 $0x3, v1;
	(pc) =	sbr.rel .LBB2_2-.Ltmp1, $4  }
0x15: {  	s15 =	simm.s32 $0x19000;
	s16 =	simm.s32 $0x19500;
	s17 =	simm.s32 $0x2;
	v7 =	vor.u32 $0x4, v1;
	v8 =	vor.u32 $0x5, v1;
	v9 =	vor.u32 $0x6, v1  }
0x16: {  	s18 =	simm.s32 $0x3;
	s19 =	simm.s32 $0x4;
	s20 =	simm.s32 $0x5;
	v10 =	vor.u32 $0x7, v1;
	v11 =	vor.u32 $0x8, v1;
	v12 =	vor.u32 $0x9, v1  }
0x17: {  	s21 =	simm.s32 $0x0;
	s22 =	simm.s32 $0x19880;
	s9 =	sshrl.u32 s8, $0x1;
	v13 =	vor.u32 $0xA, v1;
	v14 =	vor.u32 $0xB, v1;
	v15 =	vor.u32 $0xC, v1  }
0x18: {  	s23 =	simm.s32 $0x6;
	s8 =	ssub.s32 s8, s9;
	s9 =	simm.s32 $0x0;
	v16 =	vor.u32 $0xD, v1;
	v17 =	vor.u32 $0xE, v1;
	v18 =	vor.u32 $0xF, v1  }
.LBB2_12:
0x19: {  	_ =	sdelay $0x3  }
0x1a: {  	[tilespmem:v21+s22+$0x0] =	vst.idx.msk $0x1f, v20  }
.LBB2_13:
0x1b: {  	s9 =	sadd.s32 $0x1, s9  }
0x1c: {  	p0 =	sne.s32 s9, s8  }
.Ltmp2:
0x1d: {  	_ = 	snop;
	(pc) =	sbr.rel @!p0 .LBB2_14-.Ltmp2, $4  }
0x1e: {  	[hbm4b:s3+s21] =	stream.linear.scatter [tilespmem:s22], [sflag:$0x6], $0x400, $0x38;
	[tilespmem:$0x19C80] =	vst v63  }
0x1f: {  	_ =	swait.ge [sflag:s23], $0x400  }
0x20: {  	[sflag:s23] =	ssyncset.done $0x0  }
0x21: {  	[sflag:s23] =	ssyncadd.s32 $0xFFFFFC00  }
.LBB2_2:
0x22: {  	[tilespmem:s10], [sflag:$0x1] =	stream.linear.gather [hbm4b:s7+s21], $0x5000, $0x38;
	[tilespmem:$0x19C80] =	vst v63  }
0x23: {  	_ = 	snop  }
0x24: {  	[tilespmem:s21], [sflag:$0x2] =	stream.linear.gather [hbm4b:s2+s21], $0x5000, $0x38;
	[tilespmem:$0x19C80] =	vst v63  }
0x25: {  	_ = 	snop  }
0x26: {  	[tilespmem:s11], [sflag:$0x3] =	stream.linear.gather [hbm4b:s4+s21], $0x5000, $0x38;
	[tilespmem:$0x19C80] =	vst v63  }
0x27: {  	_ = 	snop  }
0x28: {  	[tilespmem:s12], [sflag:$0x4] =	stream.linear.gather [hbm4b:s5+s21], $0x5000, $0x38;
	[tilespmem:$0x19C80] =	vst v63  }
0x29: {  	_ = 	snop  }
0x2a: {  	[tilespmem:s13], [sflag:$0x5] =	stream.linear.gather [hbm4b:s6+s21], $0x5000, $0x38;
	[tilespmem:$0x19C80] =	vst v63  }
0x2b: {  	[tilespmem:$0x19600] =	vst v2  }
0x2c: {  	[tilespmem:$0x19680] =	vst v2  }
0x2d: {  	[tilespmem:$0x19700] =	vst v2  }
0x2e: {  	[tilespmem:$0x19780] =	vst v2  }
0x2f: {  	[tilespmem:$0x19800] =	vst v2  }
0x30: {  	[tilespmem:$0x19610] =	vst v2  }
0x31: {  	[tilespmem:$0x19690] =	vst v2  }
0x32: {  	[tilespmem:$0x19710] =	vst v2  }
0x33: {  	[tilespmem:$0x19790] =	vst v2  }
0x34: {  	[tilespmem:$0x19810] =	vst v2  }
0x35: {  	[tilespmem:$0x19620] =	vst v2  }
0x36: {  	[tilespmem:$0x196A0] =	vst v2  }
0x37: {  	[tilespmem:$0x19720] =	vst v2  }
0x38: {  	[tilespmem:$0x197A0] =	vst v2  }
0x39: {  	[tilespmem:$0x19820] =	vst v2  }
0x3a: {  	[tilespmem:$0x19630] =	vst v2  }
0x3b: {  	[tilespmem:$0x196B0] =	vst v2  }
0x3c: {  	[tilespmem:$0x19730] =	vst v2  }
0x3d: {  	[tilespmem:$0x197B0] =	vst v2  }
0x3e: {  	[tilespmem:$0x19830] =	vst v2  }
0x3f: {  	[tilespmem:$0x19640] =	vst v2  }
0x40: {  	[tilespmem:$0x196C0] =	vst v2  }
0x41: {  	[tilespmem:$0x19740] =	vst v2  }
0x42: {  	[tilespmem:$0x197C0] =	vst v2  }
0x43: {  	[tilespmem:$0x19840] =	vst v2  }
0x44: {  	[tilespmem:$0x19650] =	vst v2  }
0x45: {  	[tilespmem:$0x196D0] =	vst v2  }
0x46: {  	[tilespmem:$0x19750] =	vst v2  }
0x47: {  	[tilespmem:$0x197D0] =	vst v2  }
0x48: {  	[tilespmem:$0x19850] =	vst v2  }
0x49: {  	[tilespmem:$0x19660] =	vst v2  }
0x4a: {  	[tilespmem:$0x196E0] =	vst v2  }
0x4b: {  	[tilespmem:$0x19760] =	vst v2  }
0x4c: {  	[tilespmem:$0x197E0] =	vst v2  }
0x4d: {  	[tilespmem:$0x19860] =	vst v2  }
0x4e: {  	[tilespmem:$0x19670] =	vst v2  }
0x4f: {  	[tilespmem:$0x196F0] =	vst v2  }
0x50: {  	[tilespmem:$0x19770] =	vst v2  }
0x51: {  	v20 =	vor.u32 s21, v1;
	v21 =	vor.u32 s21, v4;
	[tilespmem:$0x197F0] =	vst v2  }
0x52: {  	v20 =	vand.u32 v3, v20;
	[tilespmem:$0x19870] =	vst v2  }
0x53: {  	v22 =	vor.u32 s21, v5;
	_ =	swait.ge [sflag:s14], $0x5000  }
0x54: {  	v23 =	vor.u32 s21, v6;
	[sflag:s14] =	ssyncset.done $0x0  }
0x55: {  	v24 =	vor.u32 s21, v7;
	[sflag:s14] =	ssyncadd.s32 $0xFFFFB000  }
0x56: {  	v25 =	vor.u32 s21, v8;
	v21 =	vld.idx.msk [tilespmem:v21+s10+$0x0], $0xffff  }
0x57: {  	v26 =	vor.u32 s21, v9;
	v20 =	vld.idx.msk [tilespmem:v20+s10+$0x0], $0xffff  }
0x58: {  	v27 =	vor.u32 s21, v10;
	v22 =	vld.idx.msk [tilespmem:v22+s10+$0x0], $0xffff  }
0x59: {  	v28 =	vor.u32 s21, v11;
	v23 =	vld.idx.msk [tilespmem:v23+s10+$0x0], $0xffff  }
0x5a: {  	v24 =	vld.idx.msk [tilespmem:v24+s10+$0x0], $0xffff  }
0x5b: {  	v25 =	vld.idx.msk [tilespmem:v25+s10+$0x0], $0xffff  }
0x5c: {  	v26 =	vld.idx.msk [tilespmem:v26+s10+$0x0], $0xffff;
	v20 =	vmax.f32 v20, v21  }
0x5d: {  	v29 =	vor.u32 s21, v12;
	v21 =	vld.idx.msk [tilespmem:v27+s10+$0x0], $0xffff;
	v20 =	vmax.f32 v20, v22  }
0x5e: {  	v30 =	vor.u32 s21, v13;
	v22 =	vld.idx.msk [tilespmem:v28+s10+$0x0], $0xffff;
	v20 =	vmax.f32 v20, v23  }
0x5f: {  	v31 =	vor.u32 s21, v14;
	v20 =	vmax.f32 v20, v24  }
0x60: {  	v27 =	vor.u32 s21, v15;
	v20 =	vmax.f32 v20, v25  }
0x61: {  	v62 =	vor.u32 s21, v16;
	v20 =	vmax.f32 v20, v26  }
0x62: {  	v63 =	vor.u32 s21, v17;
	v23 =	vld.idx.msk [tilespmem:v29+s10+$0x0], $0xffff;
	v20 =	vmax.f32 v20, v21  }
0x63: {  	v24 =	vld.idx.msk [tilespmem:v30+s10+$0x0], $0xffff;
	v20 =	vmax.f32 v20, v22;
	v22 =	vor.u32 s21, v18  }
0x64: {  	v25 =	vld.idx.msk [tilespmem:v31+s10+$0x0], $0xffff  }
0x65: {  	v26 =	vld.idx.msk [tilespmem:v27+s10+$0x0], $0xffff  }
0x66: {  	v21 =	vld.idx.msk [tilespmem:v62+s10+$0x0], $0xffff  }
0x67: {  	v27 =	vld.idx.msk [tilespmem:v63+s10+$0x0], $0xffff;
	v20 =	vmax.f32 v20, v23  }
0x68: {  	v20 =	vmax.f32 v20, v24;
	v22 =	vld.idx.msk [tilespmem:v22+s10+$0x0], $0xffff  }
0x69: {  	v20 =	vmax.f32 v20, v25  }
0x6a: {  	v20 =	vmax.f32 v20, v26  }
0x6b: {  	s25 =	simm.s32 $0x100;
	v24 =	vmax.f32 v20, v21;
	v20 =	vor.u32 s21, v0  }
0x6c: {  	s26 =	simm.s32 $0x200;
	s24 =	simm.s32 $0x0;
	v23 =	vor.u32 s25, v1;
	v21 =	vor.u32 s25, v4;
	v24 =	vmax.f32 v24, v27  }
.LBB2_3:
0x6d: {  	p0 =	sne.s32 s26, $0x4F00;
	v23 =	vand.u32 v3, v23;
	v22 =	vmax.f32 v24, v22  }
0x6e: {  	v24 =	vor.u32 s25, v5;
	vm5 =	vge.f32 v22, $5.000000070e-02  }
0x6f: {  	v25 =	vor.u32 s25, v6;
	v22 =	vnsel vm5, $0xFF800000, v22  }
0x70: {  	v26 =	vor.u32 s25, v7;
	[tilespmem:v20+s15+$0x0] =	vst.idx.msk $0xffff, v22  }
0x71: {  	v20 =	vld.idx.msk [tilespmem:v21+s10+$0x0], $0xffff;
	v21 =	vor.u32 s25, v8  }
0x72: {  	v22 =	vld.idx.msk [tilespmem:v23+s10+$0x0], $0xffff;
	v23 =	vor.u32 s25, v9  }
0x73: {  	v27 =	vor.u32 s25, v10;
	v24 =	vld.idx.msk [tilespmem:v24+s10+$0x0], $0xffff  }
0x74: {  	v28 =	vor.u32 s25, v11;
	v25 =	vld.idx.msk [tilespmem:v25+s10+$0x0], $0xffff  }
0x75: {  	v29 =	vor.u32 s25, v12;
	v26 =	vld.idx.msk [tilespmem:v26+s10+$0x0], $0xffff  }
0x76: {  	v30 =	vor.u32 s25, v13;
	v21 =	vld.idx.msk [tilespmem:v21+s10+$0x0], $0xffff  }
0x77: {  	v31 =	vor.u32 s25, v14;
	v23 =	vld.idx.msk [tilespmem:v23+s10+$0x0], $0xffff  }
0x78: {  	v20 =	vmax.f32 v22, v20;
	v22 =	vld.idx.msk [tilespmem:v27+s10+$0x0], $0xffff;
	v27 =	vor.u32 s25, v15  }
0x79: {  	v20 =	vmax.f32 v20, v24;
	v24 =	vld.idx.msk [tilespmem:v28+s10+$0x0], $0xffff;
	v28 =	vor.u32 s25, v16  }
0x7a: {  	v20 =	vmax.f32 v20, v25;
	v25 =	vld.idx.msk [tilespmem:v29+s10+$0x0], $0xffff;
	v29 =	vor.u32 s25, v17  }
0x7b: {  	v20 =	vmax.f32 v20, v26;
	v26 =	vld.idx.msk [tilespmem:v30+s10+$0x0], $0xffff;
	v30 =	vor.u32 s25, v18;
	s25 =	smov.u32 s26  }
0x7c: {  	v20 =	vmax.f32 v20, v21;
	v21 =	vld.idx.msk [tilespmem:v31+s10+$0x0], $0xffff  }
0x7d: {  	v20 =	vmax.f32 v20, v23;
	v23 =	vld.idx.msk [tilespmem:v27+s10+$0x0], $0xffff  }
0x7e: {  	v20 =	vmax.f32 v20, v22;
	v27 =	vld.idx.msk [tilespmem:v28+s10+$0x0], $0xffff  }
0x7f: {  	v20 =	vmax.f32 v20, v24;
	v24 =	vld.idx.msk [tilespmem:v29+s10+$0x0], $0xffff  }
0x80: {  	v20 =	vmax.f32 v20, v25;
	v22 =	vld.idx.msk [tilespmem:v30+s10+$0x0], $0xffff  }
.Ltmp3:
0x81: {  	v20 =	vmax.f32 v20, v26;
	(pc) =	sbr.rel @p0 .LBB2_3-.Ltmp3, $4  }
0x82: {  	v20 =	vmax.f32 v20, v21  }
0x83: {  	s24 =	sadd.s32 $0x10, s24;
	v20 =	vmax.f32 v20, v23  }
0x84: {  	v25 =	vmax.f32 v20, v27;
	v20 =	vor.u32 s24, v0  }
0x85: {  	s26 =	sadd.s32 $0x100, s26;
	v21 =	vor.u32 s25, v4;
	v23 =	vor.u32 s25, v1;
	v24 =	vmax.f32 v25, v24  }
0x86: {  	_ = 	snop  }
0x87: {  	v23 =	vand.u32 v3, v23;
	v22 =	vmax.f32 v24, v22  }
0x88: {  	v24 =	vor.u32 s25, v5;
	vm5 =	vge.f32 v22, $5.000000070e-02  }
0x89: {  	v25 =	vor.u32 s25, v6;
	v22 =	vnsel vm5, $0xFF800000, v22  }
0x8a: {  	v26 =	vor.u32 s25, v7;
	[tilespmem:v20+s15+$0x0] =	vst.idx.msk $0xffff, v22  }
0x8b: {  	v20 =	vld.idx.msk [tilespmem:v21+s10+$0x0], $0xffff;
	v21 =	vor.u32 s25, v8  }
0x8c: {  	v22 =	vld.idx.msk [tilespmem:v23+s10+$0x0], $0xffff;
	v23 =	vor.u32 s25, v9  }
0x8d: {  	v27 =	vor.u32 s25, v10;
	v24 =	vld.idx.msk [tilespmem:v24+s10+$0x0], $0xffff  }
0x8e: {  	v28 =	vor.u32 s25, v11;
	v25 =	vld.idx.msk [tilespmem:v25+s10+$0x0], $0xffff  }
0x8f: {  	v29 =	vor.u32 s25, v12;
	v26 =	vld.idx.msk [tilespmem:v26+s10+$0x0], $0xffff  }
0x90: {  	v30 =	vor.u32 s25, v13;
	v21 =	vld.idx.msk [tilespmem:v21+s10+$0x0], $0xffff  }
0x91: {  	v31 =	vor.u32 s25, v14;
	v23 =	vld.idx.msk [tilespmem:v23+s10+$0x0], $0xffff;
	v20 =	vmax.f32 v22, v20  }
0x92: {  	v22 =	vld.idx.msk [tilespmem:v27+s10+$0x0], $0xffff;
	v27 =	vor.u32 s25, v15;
	v20 =	vmax.f32 v20, v24  }
0x93: {  	v55 =	vor.u32 s25, v16;
	v24 =	vld.idx.msk [tilespmem:v28+s10+$0x0], $0xffff;
	v20 =	vmax.f32 v20, v25  }
0x94: {  	v56 =	vor.u32 s25, v17;
	v25 =	vld.idx.msk [tilespmem:v29+s10+$0x0], $0xffff;
	v20 =	vmax.f32 v20, v26  }
0x95: {  	v57 =	vor.u32 s25, v18;
	v26 =	vld.idx.msk [tilespmem:v30+s10+$0x0], $0xffff;
	v20 =	vmax.f32 v20, v21  }
0x96: {  	v21 =	vld.idx.msk [tilespmem:v31+s10+$0x0], $0xffff;
	v20 =	vmax.f32 v20, v23  }
0x97: {  	v23 =	vld.idx.msk [tilespmem:v27+s10+$0x0], $0xffff;
	v20 =	vmax.f32 v20, v22  }
0x98: {  	v22 =	vld.idx.msk [tilespmem:v55+s10+$0x0], $0xffff;
	v20 =	vmax.f32 v20, v24  }
0x99: {  	v24 =	vld.idx.msk [tilespmem:v56+s10+$0x0], $0xffff;
	v20 =	vmax.f32 v20, v25  }
0x9a: {  	v25 =	vld.idx.msk [tilespmem:v57+s10+$0x0], $0xffff;
	v20 =	vmax.f32 v20, v26  }
0x9b: {  	v20 =	vmax.f32 v20, v21  }
0x9c: {  	s24 =	sadd.s32 $0x10, s24;
	v20 =	vmax.f32 v20, v23  }
0x9d: {  	v21 =	vor.u32 s24, v0;
	v20 =	vmax.f32 v20, v22  }
0x9e: {  	v20 =	vmax.f32 v20, v24  }
0x9f: {  	v20 =	vmax.f32 v20, v25  }
0xa0: {  	vm5 =	vge.f32 v20, $5.000000070e-02  }
0xa1: {  	v20 =	vnsel vm5, $0xFF800000, v20  }
0xa2: {  	[tilespmem:v21+s15+$0x0] =	vst.idx.msk $0xffff, v20  }
0xa3: {  	[tilespmem:$0x19500] =	vst v19  }
0xa4: {  	[tilespmem:$0x19510] =	vst v19  }
0xa5: {  	[tilespmem:$0x19520] =	vst v19  }
0xa6: {  	[tilespmem:$0x19530] =	vst v19  }
0xa7: {  	[tilespmem:$0x19540] =	vst v19  }
0xa8: {  	[tilespmem:$0x19550] =	vst v19  }
0xa9: {  	[tilespmem:$0x19560] =	vst v19  }
0xaa: {  	[tilespmem:$0x19570] =	vst v19  }
0xab: {  	[tilespmem:$0x19580] =	vst v19  }
0xac: {  	[tilespmem:$0x19590] =	vst v19  }
0xad: {  	s24 =	simm.s32 $0x0;
	[tilespmem:$0x195A0] =	vst v19  }
0xae: {  	v20 =	vor.u32 s24, v1;
	v21 =	vor.u32 s24, v4;
	[tilespmem:$0x195B0] =	vst v19  }
0xaf: {  	[tilespmem:$0x195C0] =	vst v19;
	v20 =	vand.u32 v3, v20  }
0xb0: {  	v22 =	vor.u32 s24, v5;
	[tilespmem:$0x195D0] =	vst v19  }
0xb1: {  	v23 =	vor.u32 s24, v6;
	[tilespmem:$0x195E0] =	vst v19  }
0xb2: {  	v24 =	vor.u32 s24, v7;
	[tilespmem:$0x195F0] =	vst v19  }
0xb3: {  	v25 =	vor.u32 s24, v8;
	v21 =	vld.idx.msk [tilespmem:v21+s15+$0x0], $0xffff  }
0xb4: {  	v26 =	vor.u32 s24, v9;
	v20 =	vld.idx.msk [tilespmem:v20+s15+$0x0], $0xffff  }
0xb5: {  	v27 =	vor.u32 s24, v10;
	v22 =	vld.idx.msk [tilespmem:v22+s15+$0x0], $0xffff  }
0xb6: {  	v58 =	vor.u32 s24, v11;
	v23 =	vld.idx.msk [tilespmem:v23+s15+$0x0], $0xffff  }
0xb7: {  	v59 =	vor.u32 s24, v12;
	v24 =	vld.idx.msk [tilespmem:v24+s15+$0x0], $0xffff  }
0xb8: {  	v60 =	vor.u32 s24, v13;
	v25 =	vld.idx.msk [tilespmem:v25+s15+$0x0], $0xffff  }
0xb9: {  	v61 =	vor.u32 s24, v14;
	v26 =	vld.idx.msk [tilespmem:v26+s15+$0x0], $0xffff;
	v20 =	vmax.f32 v20, v21  }
0xba: {  	v21 =	vld.idx.msk [tilespmem:v27+s15+$0x0], $0xffff;
	v20 =	vmax.f32 v20, v22  }
0xbb: {  	v27 =	vor.u32 s24, v15;
	v22 =	vld.idx.msk [tilespmem:v58+s15+$0x0], $0xffff;
	v20 =	vmax.f32 v20, v23  }
0xbc: {  	v23 =	vld.idx.msk [tilespmem:v59+s15+$0x0], $0xffff;
	v20 =	vmax.f32 v20, v24;
	v24 =	vor.u32 s24, v16  }
0xbd: {  	v62 =	vld.idx.msk [tilespmem:v60+s15+$0x0], $0xffff;
	v20 =	vmax.f32 v20, v25;
	v25 =	vor.u32 s24, v17  }
0xbe: {  	v63 =	vld.idx.msk [tilespmem:v61+s15+$0x0], $0xffff;
	v20 =	vmax.f32 v20, v26;
	v26 =	vor.u32 s24, v18  }
0xbf: {  	v20 =	vmax.f32 v20, v21  }
0xc0: {  	v27 =	vld.idx.msk [tilespmem:v27+s15+$0x0], $0xffff;
	v20 =	vmax.f32 v20, v22  }
0xc1: {  	v21 =	vmax.f32 v20, v23;
	v20 =	vld.idx.msk [tilespmem:v24+s15+$0x0], $0xffff  }
0xc2: {  	v22 =	vmax.f32 v21, v62;
	v21 =	vld.idx.msk [tilespmem:v25+s15+$0x0], $0xffff  }
0xc3: {  	v28 =	vmax.f32 v22, v63;
	v22 =	vld.idx.msk [tilespmem:v26+s15+$0x0], $0xffff  }
0xc4: {  	s25 =	simm.s32 $0x100;
	v23 =	vor.u32 s24, v0  }
0xc5: {  	s26 =	simm.s32 $0x200;
	v24 =	vor.u32 s25, v4;
	v25 =	vor.u32 s25, v1;
	v26 =	vmax.f32 v28, v27  }
.LBB2_5:
0xc6: {  	p0 =	sne.s32 s26, $0x400;
	v25 =	vand.u32 v3, v25;
	v20 =	vmax.f32 v26, v20  }
0xc7: {  	v26 =	vor.u32 s25, v5;
	v20 =	vmax.f32 v20, v21  }
0xc8: {  	v21 =	vor.u32 s25, v6;
	v20 =	vmax.f32 v20, v22  }
0xc9: {  	v22 =	vor.u32 s25, v7;
	[tilespmem:v23+s16+$0x0] =	vst.idx.msk $0xffff, v20  }
0xca: {  	v23 =	vor.u32 s25, v8;
	v20 =	vld.idx.msk [tilespmem:v24+s15+$0x0], $0xffff  }
0xcb: {  	v24 =	vld.idx.msk [tilespmem:v25+s15+$0x0], $0xffff;
	v25 =	vor.u32 s25, v9  }
0xcc: {  	v27 =	vor.u32 s25, v10;
	v26 =	vld.idx.msk [tilespmem:v26+s15+$0x0], $0xffff  }
0xcd: {  	v28 =	vor.u32 s25, v11;
	v21 =	vld.idx.msk [tilespmem:v21+s15+$0x0], $0xffff  }
0xce: {  	v29 =	vor.u32 s25, v12;
	v22 =	vld.idx.msk [tilespmem:v22+s15+$0x0], $0xffff  }
0xcf: {  	v30 =	vor.u32 s25, v13;
	v23 =	vld.idx.msk [tilespmem:v23+s15+$0x0], $0xffff  }
0xd0: {  	v31 =	vor.u32 s25, v14;
	v25 =	vld.idx.msk [tilespmem:v25+s15+$0x0], $0xffff  }
0xd1: {  	v20 =	vmax.f32 v24, v20;
	v24 =	vld.idx.msk [tilespmem:v27+s15+$0x0], $0xffff;
	v27 =	vor.u32 s25, v15  }
0xd2: {  	v20 =	vmax.f32 v20, v26;
	v26 =	vld.idx.msk [tilespmem:v28+s15+$0x0], $0xffff;
	v28 =	vor.u32 s25, v16  }
0xd3: {  	v20 =	vmax.f32 v20, v21;
	v21 =	vor.u32 s25, v17;
	v29 =	vld.idx.msk [tilespmem:v29+s15+$0x0], $0xffff  }
0xd4: {  	v20 =	vmax.f32 v20, v22;
	v22 =	vor.u32 s25, v18;
	s25 =	smov.u32 s26;
	v30 =	vld.idx.msk [tilespmem:v30+s15+$0x0], $0xffff  }
0xd5: {  	v20 =	vmax.f32 v20, v23;
	v23 =	vld.idx.msk [tilespmem:v31+s15+$0x0], $0xffff  }
0xd6: {  	v20 =	vmax.f32 v20, v25;
	v27 =	vld.idx.msk [tilespmem:v27+s15+$0x0], $0xffff  }
0xd7: {  	v24 =	vmax.f32 v20, v24;
	v20 =	vld.idx.msk [tilespmem:v28+s15+$0x0], $0xffff  }
.Ltmp4:
0xd8: {  	v24 =	vmax.f32 v24, v26;
	v21 =	vld.idx.msk [tilespmem:v21+s15+$0x0], $0xffff;
	(pc) =	sbr.rel @p0 .LBB2_5-.Ltmp4, $4  }
0xd9: {  	v24 =	vmax.f32 v24, v29;
	v22 =	vld.idx.msk [tilespmem:v22+s15+$0x0], $0xffff  }
0xda: {  	s24 =	sadd.s32 $0x10, s24;
	v24 =	vmax.f32 v24, v30  }
0xdb: {  	v26 =	vmax.f32 v24, v23;
	v23 =	vor.u32 s24, v0  }
0xdc: {  	s26 =	sadd.s32 $0x100, s26;
	v25 =	vor.u32 s25, v1;
	v24 =	vor.u32 s25, v4;
	v26 =	vmax.f32 v26, v27  }
0xdd: {  	_ = 	snop  }
0xde: {  	v25 =	vand.u32 v3, v25;
	v20 =	vmax.f32 v26, v20  }
0xdf: {  	v46 =	vor.u32 s25, v5;
	v20 =	vmax.f32 v20, v21  }
0xe0: {  	v21 =	vor.u32 s25, v6;
	v20 =	vmax.f32 v20, v22  }
0xe1: {  	v22 =	vor.u32 s25, v7;
	[tilespmem:v23+s16+$0x0] =	vst.idx.msk $0xffff, v20  }
0xe2: {  	v23 =	vor.u32 s25, v8;
	v20 =	vld.idx.msk [tilespmem:v24+s15+$0x0], $0xffff  }
0xe3: {  	v48 =	vor.u32 s25, v9;
	v47 =	vld.idx.msk [tilespmem:v25+s15+$0x0], $0xffff  }
0xe4: {  	v27 =	vor.u32 s25, v10;
	v26 =	vld.idx.msk [tilespmem:v46+s15+$0x0], $0xffff  }
0xe5: {  	v28 =	vor.u32 s25, v11;
	v21 =	vld.idx.msk [tilespmem:v21+s15+$0x0], $0xffff  }
0xe6: {  	v29 =	vor.u32 s25, v12;
	v22 =	vld.idx.msk [tilespmem:v22+s15+$0x0], $0xffff  }
0xe7: {  	v30 =	vor.u32 s25, v13;
	v23 =	vld.idx.msk [tilespmem:v23+s15+$0x0], $0xffff  }
0xe8: {  	v31 =	vor.u32 s25, v14;
	v25 =	vld.idx.msk [tilespmem:v48+s15+$0x0], $0xffff;
	v20 =	vmax.f32 v47, v20  }
0xe9: {  	v50 =	vor.u32 s25, v15;
	v49 =	vld.idx.msk [tilespmem:v27+s15+$0x0], $0xffff;
	v20 =	vmax.f32 v20, v26  }
0xea: {  	v52 =	vor.u32 s25, v16;
	v51 =	vld.idx.msk [tilespmem:v28+s15+$0x0], $0xffff;
	v20 =	vmax.f32 v20, v21  }
0xeb: {  	v53 =	vor.u32 s25, v17;
	v21 =	vld.idx.msk [tilespmem:v29+s15+$0x0], $0xffff;
	v20 =	vmax.f32 v20, v22  }
0xec: {  	v54 =	vor.u32 s25, v18;
	v22 =	vld.idx.msk [tilespmem:v30+s15+$0x0], $0xffff;
	v20 =	vmax.f32 v20, v23  }
0xed: {  	v23 =	vld.idx.msk [tilespmem:v31+s15+$0x0], $0xffff;
	v20 =	vmax.f32 v20, v25  }
0xee: {  	v55 =	vld.idx.msk [tilespmem:v50+s15+$0x0], $0xffff;
	v20 =	vmax.f32 v20, v49  }
0xef: {  	v56 =	vld.idx.msk [tilespmem:v52+s15+$0x0], $0xffff;
	v20 =	vmax.f32 v20, v51  }
0xf0: {  	v57 =	vld.idx.msk [tilespmem:v53+s15+$0x0], $0xffff;
	v20 =	vmax.f32 v20, v21  }
0xf1: {  	s24 =	sadd.s32 $0x10, s24;
	v21 =	vld.idx.msk [tilespmem:v54+s15+$0x0], $0xffff;
	v20 =	vmax.f32 v20, v22  }
0xf2: {  	v22 =	vor.u32 s24, v0;
	v20 =	vmax.f32 v20, v23  }
0xf3: {  	v20 =	vmax.f32 v20, v55  }
0xf4: {  	v20 =	vmax.f32 v20, v56  }
0xf5: {  	v20 =	vmax.f32 v20, v57  }
0xf6: {  	v20 =	vmax.f32 v20, v21  }
0xf7: {  	[tilespmem:v22+s16+$0x0] =	vst.idx.msk $0xffff, v20  }
0xf8: {  	v20 =	vld.idx.msk [tilespmem:v1+s16+$0x0], $0xffff  }
0xf9: {  	v21 =	vld.idx.msk [tilespmem:v4+s16+$0x0], $0xffff  }
0xfa: {  	v22 =	vld.idx.msk [tilespmem:v5+s16+$0x0], $0xffff  }
0xfb: {  	v23 =	vld.idx.msk [tilespmem:v6+s16+$0x0], $0xffff  }
0xfc: {  	v58 =	vld.idx.msk [tilespmem:v7+s16+$0x0], $0xffff  }
0xfd: {  	v59 =	vld.idx.msk [tilespmem:v8+s16+$0x0], $0xffff  }
0xfe: {  	v20 =	vmax.f32 v20, v21;
	v21 =	vld.idx.msk [tilespmem:v9+s16+$0x0], $0xffff  }
0xff: {  	v20 =	vmax.f32 v20, v22;
	v22 =	vld.idx.msk [tilespmem:v10+s16+$0x0], $0xffff  }
0x100: {  	v20 =	vmax.f32 v20, v23;
	v23 =	vld.idx.msk [tilespmem:v11+s16+$0x0], $0xffff  }
0x101: {  	v60 =	vld.idx.msk [tilespmem:v12+s16+$0x0], $0xffff;
	v20 =	vmax.f32 v20, v58  }
0x102: {  	v61 =	vld.idx.msk [tilespmem:v13+s16+$0x0], $0xffff;
	v20 =	vmax.f32 v20, v59  }
0x103: {  	v20 =	vmax.f32 v20, v21;
	v21 =	vld.idx.msk [tilespmem:v14+s16+$0x0], $0xffff  }
0x104: {  	v20 =	vmax.f32 v20, v22;
	v22 =	vld.idx.msk [tilespmem:v15+s16+$0x0], $0xffff  }
0x105: {  	v20 =	vmax.f32 v20, v23;
	v23 =	vld.idx.msk [tilespmem:v16+s16+$0x0], $0xffff  }
0x106: {  	v62 =	vld.idx.msk [tilespmem:v17+s16+$0x0], $0xffff;
	v20 =	vmax.f32 v20, v60  }
0x107: {  	v63 =	vld.idx.msk [tilespmem:v18+s16+$0x0], $0xffff;
	v20 =	vmax.f32 v20, v61  }
0x108: {  	v20 =	vmax.f32 v20, v21  }
0x109: {  	v20 =	vmax.f32 v20, v22  }
0x10a: {  	v20 =	vmax.f32 v20, v23  }
0x10b: {  	v20 =	vmax.f32 v20, v62  }
0x10c: {  	v20 =	vmax.f32 v20, v63  }
0x10d: {  	(xrf0) =	vmax.scan.msk.f32 $0xffff, v20;
	_ =	sdelay $0x5  }
0x10e: {  	v21, _, _ =	vpop (xrf0)  }
0x10f: {  	(v2sf) =	vpush v21, $0xF;
	_ =	sdelay $0xe  }
0x110: {  	s25 =	spop (v2sf)  }
0x111: {  	_ =	swait.ge [sflag:s17], $0x5000  }
0x112: {  	[sflag:s17] =	ssyncset.done $0x0  }
0x113: {  	[sflag:s17] =	ssyncadd.s32 $0xFFFFB000  }
0x114: {  	p0 =	slt.f32 s25, $-Inf;
	p1 =	sgt.f32 s25, $-Inf;
	_ =	swait.ge [sflag:s18], $0x5000  }
0x115: {  	[sflag:s18] =	ssyncset.done $0x0  }
0x116: {  	p0 =	por p1, p0;
	[sflag:s18] =	ssyncadd.s32 $0xFFFFB000  }
0x117: {  	p0 =	por !p0, !p0;
	_ =	swait.ge [sflag:s19], $0x5000  }
.Ltmp5:
0x118: {  	[sflag:s19] =	ssyncset.done $0x0;
	(pc) =	sbr.rel @p0 .LBB2_9-.Ltmp5, $4  }
0x119: {  	[sflag:s19] =	ssyncadd.s32 $0xFFFFB000  }
0x11a: {  	_ =	swait.ge [sflag:s20], $0x5000  }
0x11b: {  	[sflag:s20] =	ssyncset.done $0x0  }
0x11c: {  	s24 =	simm.s32 $0x0;
	[sflag:s20] =	ssyncadd.s32 $0xFFFFB000  }
.LBB2_7:
0x11d: {  	vm5 =	veq.f32 v20, s25  }
0x11e: {  	v25 =	vmctz.xlane vm5;
	_ =	sdelay $0x1  }
0x11f: {  	v21 =	vshll.u32 v25, $0x4  }
0x120: {  	v27 =	vor.u32 v0, v21;
	_ =	sdelay $0x4  }
0x121: {  	v22 =	vld.idx.msk [tilespmem:v27+s16+$0x0], $0xffff;
	_ =	sdelay $0x4  }
0x122: {  	vm5 =	veq.f32 v22, s25  }
0x123: {  	v22 =	vmctz.xlane vm5;
	_ =	sdelay $0x1  }
0x124: {  	v28 =	vadd.s32 v21, v22  }
0x125: {  	v21 =	vshll.u32 v28, $0x4  }
0x126: {  	v29 =	vor.u32 v0, v21;
	_ =	sdelay $0x4  }
0x127: {  	v22 =	vld.idx.msk [tilespmem:v29+s15+$0x0], $0xffff;
	_ =	sdelay $0x2  }
0x128: {  	v26 =	vld [tilespmem:$0x19600]  }
0x129: {  	v33 =	vld [tilespmem:$0x19680]  }
0x12a: {  	v34 =	vld [tilespmem:$0x19700];
	vm5 =	veq.f32 v22, s25  }
0x12b: {  	v35 =	vld [tilespmem:$0x19780];
	v22 =	vmctz.xlane vm5  }
0x12c: {  	v36 =	vld [tilespmem:$0x19800]  }
0x12d: {  	v37 =	vld [tilespmem:$0x19610];
	v30 =	vadd.s32 v22, v21  }
0x12e: {  	v38 =	vld [tilespmem:$0x19690];
	v21 =	vshll.u32 v30, $0x4  }
0x12f: {  	v39 =	vld [tilespmem:$0x19710];
	v31 =	vor.u32 v0, v21  }
0x130: {  	v40 =	vld [tilespmem:$0x19790]  }
0x131: {  	v41 =	vld [tilespmem:$0x19810]  }
0x132: {  	v42 =	vld [tilespmem:$0x19620]  }
0x133: {  	v43 =	vld [tilespmem:$0x196A0]  }
0x134: {  	v22 =	vld.idx.msk [tilespmem:v31+s10+$0x0], $0xffff  }
0x135: {  	v44 =	vld [tilespmem:$0x19720]  }
0x136: {  	v45 =	vld [tilespmem:$0x197A0]  }
0x137: {  	v46 =	vld [tilespmem:$0x19820]  }
0x138: {  	v47 =	vld [tilespmem:$0x19630]  }
0x139: {  	v48 =	vld [tilespmem:$0x196B0];
	vm5 =	veq.f32 v22, s25  }
0x13a: {  	v49 =	vld [tilespmem:$0x19730];
	v22 =	vmctz.xlane vm5  }
0x13b: {  	v50 =	vld [tilespmem:$0x197B0]  }
0x13c: {  	v51 =	vld [tilespmem:$0x19830];
	v32 =	vadd.s32 v22, v21  }
0x13d: {  	v52 =	vld [tilespmem:$0x19640]  }
0x13e: {  	v53 =	vld [tilespmem:$0x196C0]  }
0x13f: {  	v54 =	vld [tilespmem:$0x19740]  }
0x140: {  	v55 =	vld [tilespmem:$0x197C0]  }
0x141: {  	v24 =	vld.idx.msk [tilespmem:v32+s21+$0x0], $0xffff  }
0x142: {  	v23 =	vld.idx.msk [tilespmem:v32+s11+$0x0], $0xffff  }
0x143: {  	v22 =	vld.idx.msk [tilespmem:v32+s12+$0x0], $0xffff  }
0x144: {  	v21 =	vld.idx.msk [tilespmem:v32+s13+$0x0], $0xffff  }
0x145: {  	v56 =	vld [tilespmem:$0x19840]  }
0x146: {  	v57 =	vld [tilespmem:$0x19650]  }
0x147: {  	v60 =	vld [tilespmem:$0x196D0]  }
0x148: {  	v61 =	vld [tilespmem:$0x19750]  }
0x149: {  	v62 =	vld [tilespmem:$0x19760];
	v58 =	vsub.f32 v22, v24;
	v59 =	vsub.f32 v21, v23;
	v26 =	vmax.f32 v26, v24  }
0x14a: {  	v63 =	vld [tilespmem:$0x197E0];
	v33 =	vmax.f32 v33, v23;
	v34 =	vmin.f32 v34, v22;
	v35 =	vmin.f32 v35, v21  }
0x14b: {  	v37 =	vmax.f32 v37, v24;
	v39 =	vmin.f32 v39, v22;
	v33 =	vsub.f32 v35, v33;
	v35 =	vld [tilespmem:$0x197D0]  }
0x14c: {  	v34 =	vsub.f32 v34, v26;
	v37 =	vsub.f32 v39, v37;
	v39 =	vld [tilespmem:$0x19860]  }
0x14d: {  	v38 =	vmax.f32 v38, v23;
	v26 =	vmul.f32 v59, v58;
	v58 =	vld [tilespmem:$0x19850]  }
0x14e: {  	v40 =	vmin.f32 v40, v21;
	v59 =	vld [tilespmem:$0x19660];
	v34 =	vmax.f32 v34, $0.0e+00;
	v33 =	vmax.f32 v33, $0.0e+00  }
0x14f: {  	v33 =	vmul.f32 v33, v34;
	v34 =	vadd.f32 v36, v26;
	v36 =	vld [tilespmem:$0x196E0];
	[tilespmem:v32+s10+$0x0] =	vst.idx.msk $0x1, v19  }
0x150: {  	v45 =	vmin.f32 v45, v21;
	v38 =	vsub.f32 v40, v38;
	v40 =	vmax.f32 v43, v23;
	v31 =	vld.idx.msk [tilespmem:v31+s10+$0x0], $0xffff  }
0x151: {  	v48 =	vmax.f32 v48, v23;
	v55 =	vmin.f32 v55, v21;
	v40 =	vsub.f32 v45, v40  }
0x152: {  	v45 =	vmax.f32 v47, v24;
	v47 =	vmin.f32 v49, v22;
	v49 =	vmin.f32 v50, v21  }
0x153: {  	v50 =	vmax.f32 v52, v24;
	v52 =	vmin.f32 v54, v22;
	v54 =	vmax.f32 v53, v23  }
0x154: {  	v43 =	vmax.f32 v38, $0.0e+00;
	v38 =	vsub.f32 v49, v48;
	v41 =	vadd.f32 v41, v26  }
0x155: {  	v48 =	vmax.f32 v60, v23;
	v60 =	vadd.f32 v56, v26;
	v34 =	vsub.f32 v34, v33;
	(xrf0) =	vmax.scan.msk.f32 $0xffff, v31  }
0x156: {  	v38 =	vmax.f32 v38, $0.0e+00;
	v35 =	vmin.f32 v35, v21;
	v39 =	vadd.f32 v39, v26  }
0x157: {  	v35 =	vsub.f32 v35, v48;
	v49 =	vmax.f32 v59, v24;
	v32 =	vadd.f32 $9.999999710e-10, v34  }
0x158: {  	v34 =	vmax.f32 v42, v24;
	v42 =	vmin.f32 v44, v22;
	v44 =	vmax.f32 v40, $0.0e+00  }
0x159: {  	v40 =	vsub.f32 v55, v54;
	v54 =	vmin.f32 v63, v21;
	v34 =	vsub.f32 v42, v34  }
0x15a: {  	v42 =	vmax.f32 v37, $0.0e+00;
	v37 =	vsub.f32 v47, v45;
	v45 =	vmax.f32 v57, v24  }
0x15b: {  	v47 =	vmin.f32 v61, v22;
	v36 =	vmax.f32 v36, v23;
	v57 =	vadd.f32 v51, v26;
	v53, _, _ =	vpop (xrf0)  }
0x15c: {  	v35 =	vmax.f32 v35, $0.0e+00;
	v34 =	vmax.f32 v34, $0.0e+00;
	vm5 =	vge.f32 v53, $5.000000070e-02  }
0x15d: {  	v61 =	vadd.f32 v58, v26;
	v34 =	vmul.f32 v44, v34;
	v44 =	vnsel vm5, $0xFF800000, v53  }
0x15e: {  	(erf) = vrcp.f32 v32;
	v32 =	vmul.f32 v43, v42;
	v31 =	vsub.f32 v52, v50;
	[tilespmem:v30+s15+$0x0] =	vst.idx.msk vm4, v44  }
0x15f: {  	v42 =	vsub.f32 v47, v45;
	v50 =	vmin.f32 v62, v22;
	v52 =	vadd.f32 v46, v26;
	v29 =	vld.idx.msk [tilespmem:v29+s15+$0x0], $0xffff  }
0x160: {  	v36 =	vsub.f32 v54, v36;
	v40 =	vmax.f32 v40, $0.0e+00;
	v37 =	vmax.f32 v37, $0.0e+00  }
0x161: {  	v43 =	vsub.f32 v50, v49;
	v37 =	vmul.f32 v38, v37;
	v41 =	vsub.f32 v41, v32  }
0x162: {  	v31 =	vmax.f32 v31, $0.0e+00;
	v59 =	vmax.f32 v42, $0.0e+00;
	v36 =	vmax.f32 v36, $0.0e+00  }
0x163: {  	v35 =	vmul.f32 v35, v59;
	v38 =	vsub.f32 v52, v34;
	v30 =	vmul.f32 v40, v31  }
0x164: {  	v43 =	vmax.f32 v43, $0.0e+00;
	v55 =	vadd.f32 $9.999999710e-10, v41;
	v40 =	vsub.f32 v57, v37;
	(xrf0) =	vmax.scan.msk.f32 $0xffff, v29  }
0x165: {  	v36 =	vmul.f32 v36, v43;
	v38 =	vadd.f32 $9.999999710e-10, v38;
	v41 =	vsub.f32 v60, v30  }
0x166: {  	v63 =	vsub.f32 v61, v35;
	(erf) = vrcp.f32 v55;
	v62 =	vadd.f32 $9.999999710e-10, v40  }
0x167: {  	v45 =	vsub.f32 v39, v36;
	(erf) = vrcp.f32 v38;
	v44 =	vadd.f32 $9.999999710e-10, v41  }
0x168: {  	v46 =	vadd.f32 $9.999999710e-10, v63;
	(erf) = vrcp.f32 v62  }
0x169: {  	v47 =	vadd.f32 $9.999999710e-10, v45;
	(erf) = vrcp.f32 v44  }
0x16a: {  	(erf) = vrcp.f32 v46;
	v48, _, _ =	vpop (xrf0)  }
0x16b: {  	(erf) = vrcp.f32 v47;
	[tilespmem:v28+s16+$0x0] =	vst.idx.msk vm4, v48  }
0x16c: {  	v27 =	vld.idx.msk [tilespmem:v27+s16+$0x0], $0xffff;
	_ =	sdelay $0x1  }
0x16d: {  	v49 =	vpop (erf)  }
0x16e: {  	v50 =	vpop (erf)  }
0x16f: {  	v31 =	vmul.f32 v49, v33;
	v51 =	vpop (erf);
	v28 =	vmul.f32 v50, v32  }
0x170: {  	v29 =	vmul.f32 v51, v34;
	v52 =	vpop (erf);
	(xrf0) =	vmax.scan.msk.f32 $0xffff, v27  }
0x171: {  	vm5 =	vgt.f32 v31, $5.000000000e-01;
	v54 =	vmul.f32 v52, v37;
	v53 =	vpop (erf);
	vm6 =	vgt.f32 v28, $5.000000000e-01  }
0x172: {  	v55 =	vpop (erf);
	vm5 =	vmor vm5, vm6;
	vm6 =	vgt.f32 v29, $5.000000000e-01;
	v56 =	vmul.f32 v53, v30  }
0x173: {  	vm5 =	vmor vm5, vm6;
	vm6 =	vgt.f32 v54, $5.000000000e-01;
	v57 =	vmul.f32 v55, v35;
	v58 =	vpop (erf)  }
0x174: {  	vm5 =	vmor vm5, vm6;
	vm6 =	vgt.f32 v56, $5.000000000e-01;
	v59 =	vmul.f32 v58, v36  }
0x175: {  	vm5 =	vmor vm5, vm6;
	vm6 =	vgt.f32 v57, $5.000000000e-01  }
0x176: {  	vm5 =	vmor vm5, vm6;
	vm6 =	vgt.f32 v59, $5.000000000e-01;
	v61, _, _ =	vpop (xrf0)  }
0x177: {  	vm5 =	vmor vm5, vm6;
	v62 =	vbroadcast v61, $0xF  }
0x178: {  	v60 =	vmpcnt.ones.xlane vm5;
	vm5 =	veq.s32 v25, v0  }
0x179: {  	v20 =	vsel vm5, v62, v20  }
0x17a: {  	(xrf0) =	vmax.scan.msk.f32 $0xffff, v20  }
0x17b: {  	(v2sf) =	vpush v60, $0x0;
	_ =	sdelay $0x4  }
0x17c: {  	v63, _, _ =	vpop (xrf0)  }
0x17d: {  	(v2sf) =	vpush v63, $0xF;
	_ =	sdelay $0x8  }
0x17e: {  	s26 =	spop (v2sf)  }
0x17f: {  	p0 =	sgt.s32 s26, $0x0  }
0x180: {  	v25 =	vmov @!p0 s24  }
0x181: {  	v29 =	vmov s25;
	s25 =	simm.s32 $0x1;
	p1 =	slt.s32 s26, $0x1;
	v28 =	vlaneseq.u32 @!p0;
	v27 =	vshll.u32 @!p0 v25, $0x3  }
0x182: {  	vm5 =	vcmask @!p0 $0x3F10;
	s25 =	simm.s32 @!p1 $0x0;
	v27 =	vadd.s32 @!p0 v28, v27  }
0x183: {  	s24 =	sadd.s32 s25, s24;
	v28 =	vsel @!p0 vm5, v29, v21;
	vm5 =	vcmask @!p0 $0x3F0C  }
0x184: {  	p1 =	sgt.u32 s24, $0x63;
	v28 =	vsel @!p0 vm5, v28, v22;
	vm5 =	vcmask @!p0 $0x3F08;
	s25 =	spop (v2sf)  }
0x185: {  	v28 =	vsel @!p0 vm5, v28, v23;
	vm5 =	vmmov @!p0 $0x1;
	p2 =	sgt.f32 @!p1 s25, $-Inf  }
0x186: {  	s26 =	simm.s32 @!p0 $0x19880;
	v28 =	vsel @!p0 vm5, v24, v28  }
0x187: {  	[tilespmem:v27+s26+$0x0] =	vst.idx.msk @!p0 $0x1f, v28;
	s26 =	simm.s32 @!p0 $0x19600;
	p2 =	por p1, !p2  }
.Ltmp6:
0x188: {  	[tilespmem:v25+s26+$0x0] =	vst.idx.msk @!p0 $0x1, v24;
	s26 =	simm.s32 @!p0 $0x19680;
	(pc) =	sbr.rel @!p2 .LBB2_7-.Ltmp6, $4  }
0x189: {  	[tilespmem:v25+s26+$0x0] =	vst.idx.msk @!p0 $0x1, v23;
	s26 =	simm.s32 @!p0 $0x19700  }
0x18a: {  	[tilespmem:v25+s26+$0x0] =	vst.idx.msk @!p0 $0x1, v22;
	s26 =	simm.s32 @!p0 $0x19780  }
0x18b: {  	[tilespmem:v25+s26+$0x0] =	vst.idx.msk @!p0 $0x1, v21;
	s26 =	simm.s32 @!p0 $0x19800  }
0x18c: {  	[tilespmem:v25+s26+$0x0] =	vst.idx.msk @!p0 $0x1, v26  }
.Ltmp7:
0x18d: {  	(pc) =	sbr.rel @p1 .LBB2_13-.Ltmp7, $1  }
0x18e: {  	_ =	sdelay $0x3  }
.LBB2_9:
0x18f: {  	p0 =	sgt.u32 s24, $0x63  }
.Ltmp8:
0x190: {  	_ = 	snop;
	(pc) =	sbr.rel @p0 .LBB2_13-.Ltmp8, $1  }
0x191: {  	_ =	sdelay $0x3  }
0x192: {  	v20 =	vld.msk [tilespmem:s13+$0x0], $0xffff  }
0x193: {  	v21 =	vld.msk [tilespmem:s12+$0x0], $0xffff  }
0x194: {  	v22 =	vld.msk [tilespmem:s11+$0x0], $0xffff  }
0x195: {  	v23 =	vld.msk [tilespmem:s21+$0x0], $0xffff;
	p0 =	sne.s32 s24, $0x63  }
.Ltmp9:
0x196: {  	_ = 	snop;
	(pc) =	sbr.rel @!p0 .LBB2_12-.Ltmp9, $4  }
0x197: {  	v20 =	vsel vm0, $0xFF800000, v20  }
0x198: {  	v20 =	vsel vm1, v20, v21  }
0x199: {  	s25 =	sshll.u32 s24, $0x3;
	v20 =	vsel vm2, v20, v22  }
0x19a: {  	s24 =	sadd.s32 $0x1, s24;
	v21 =	vadd.s32 s25, v0;
	v20 =	vsel vm3, v23, v20  }
.LBB2_11:
0x19b: {  	p0 =	sne.s32 s24, $0x63  }
.Ltmp10:
0x19c: {  	_ = 	snop;
	(pc) =	sbr.rel @p0 .LBB2_11-.Ltmp10, $3  }
0x19d: {  	_ =	sdelay $0x1  }
0x19e: {  	s25 =	sshll.u32 s24, $0x3;
	s24 =	sadd.s32 $0x1, s24;
	[tilespmem:v21+s22+$0x0] =	vst.idx.msk $0x1f, v20  }
0x19f: {  	v21 =	vadd.s32 s25, v0  }
.Ltmp11:
0x1a0: {  	_ = 	snop;
	(pc) =	sbr.rel .LBB2_12-.Ltmp11, $1  }
0x1a1: {  	_ =	sdelay $0x3  }
.Lfunc_end2:
_tile_overlayer_lowered:
.L_overlay_start_2:
0x1a2: {  	(tag) =	ssettag $0x2  }
0x1a3: {  	s0 =	rddreg [dreg:$0x0];
	s2 =	stileid.u32  }
0x1a4: {  	s1 =	rddreg [dreg:$0x1];
	p0 =	sne.s32 s2, $0x0  }
0x1a5: {  	s3 =	rddreg [dreg:$0x2];
	[bflag:$0x3] =	sbarrier.arrive $0xFFFF;
	s2 =	simm.s32 @!p0 $0x1C06  }
0x1a6: {  	[timem:s3], [sflag:s2] =	dma.local @!p0 [hbm:s0], s1  }
0x1a7: {  	s0 =	simm.s32 @!p0 $0x6  }
0x1a8: {  	_ =	swait.ge @!p0 [sflag:s0], s1  }
0x1a9: {  	s1 =	ssub.s32 @!p0 $0x0, s1;
	[sflag:s0] =	ssyncset.done @!p0 $0x0  }
0x1aa: {  	[sflag:s0] =	ssyncadd.s32 @!p0 s1  }
0x1ab: {  	[bflag:$0x3] =	sbarrier.arrive $0xFFFF  }
0x1ac: {  	_ =	shalt  }

</sc_bundles>
